<compile_context>
chip_gen: v7x
topology: tpu7x:2x2x1
jax: 0.10.2.dev20260603
libtpu: 0.0.44.dev20260713+nightly
codegen_flags: <defaults>
</compile_context>

<pallas_src>
import functools

import jax
import jax.numpy as jnp
from jax import lax
from jax.experimental import pallas as pl
from jax.experimental.pallas import tpu as pltpu
from jax.experimental.pallas import tpu_sc as plsc

_E = 16
_K = 2
_NC = 2
_NS = 16
_NW = _NC * _NS
_LANES = 16


def _matmul_body(x_ref, w_ref, b_ref, out_ref):
    out_ref[...] = lax.dot_general(
        w_ref[...], x_ref[...],
        dimension_numbers=(((1,), (1,)), ((), ())),
        preferred_element_type=jnp.float32,
    ) + jnp.transpose(b_ref[...])


def _router_logits_t(x2d, W, b2d):
    T, D = x2d.shape
    BT = 512
    return pl.pallas_call(
        _matmul_body,
        grid=(T // BT,),
        in_specs=[
            pl.BlockSpec((BT, D), lambda i: (i, 0)),
            pl.BlockSpec((_E, D), lambda i: (0, 0)),
            pl.BlockSpec((1, _E), lambda i: (0, 0)),
        ],
        out_specs=pl.BlockSpec((_E, BT), lambda i: (0, i)),
        out_shape=jax.ShapeDtypeStruct((_E, T), jnp.float32),
    )(x2d, W, b2d)


def _route_body(nc, lg_hbm, out_hbm, idx_hbm, lg_v, out_v, idx_v):
    tpw = lg_v.shape[1]
    wpb = out_hbm.shape[2] // tpw
    wid = lax.axis_index("s") * nc + lax.axis_index("c")
    t0 = wid * tpw
    bb = wid // wpb
    s0 = (wid % wpb) * tpw

    pltpu.sync_copy(lg_hbm.at[:, pl.ds(t0, tpw)], lg_v)

    neg_inf = jnp.full((_LANES,), -jnp.inf, dtype=jnp.float32)
    zero_f = jnp.zeros((_LANES,), dtype=jnp.float32)
    zero_i = jnp.zeros((_LANES,), dtype=jnp.int32)

    def group(g, _):
        c0 = g * _LANES
        m1 = lg_v[0, pl.ds(c0, _LANES)]
        i1 = zero_i
        m2, i2 = neg_inf, zero_i
        for e in range(1, _E):
            v = lg_v[e, pl.ds(c0, _LANES)]
            gt1 = v > m1
            gt2 = v > m2
            m2 = jnp.where(gt1, m1, jnp.where(gt2, v, m2))
            i2 = jnp.where(gt1, i1, jnp.where(gt2, e, i2))
            m1 = jnp.where(gt1, v, m1)
            i1 = jnp.where(gt1, e, i1)

        p2e = jnp.exp(m2 - m1)
        s = 1.0 + p2e
        p1 = 1.0 / s
        p2 = p2e / s

        for e in range(_E):
            out_v[e, pl.ds(c0, _LANES)] = jnp.where(
                i1 == e, p1, jnp.where(i2 == e, p2, zero_f)
            )
        idx_v[0, pl.ds(c0, _LANES)] = i1
        idx_v[1, pl.ds(c0, _LANES)] = i2
        return None

    lax.fori_loop(0, tpw // _LANES, group, None)

    pltpu.sync_copy(out_v, out_hbm.at[bb, :, pl.ds(s0, tpw)])
    pltpu.sync_copy(idx_v, idx_hbm.at[bb, :, pl.ds(s0, tpw)])


def _route(lg_t, batch, seq, num_cores=_NC):
    tpw = (batch * seq) // (num_cores * _NS)
    mesh = plsc.VectorSubcoreMesh(
        core_axis_name="c", subcore_axis_name="s", num_cores=num_cores
    )
    fn = functools.partial(
        pl.kernel,
        out_type=[
            jax.ShapeDtypeStruct((batch, _E, seq), jnp.float32),
            jax.ShapeDtypeStruct((batch, _K, seq), jnp.int32),
        ],
        mesh=mesh,
        scratch_types=[
            pltpu.VMEM((_E, tpw), jnp.float32),
            pltpu.VMEM((_E, tpw), jnp.float32),
            pltpu.VMEM((_K, tpw), jnp.int32),
        ],
    )(functools.partial(_route_body, num_cores))
    return fn(lg_t)


@jax.jit
def kernel(x, W, b):
    B, S, D = x.shape
    T = B * S
    x2d = x.reshape(T, D)
    logits_t = _router_logits_t(x2d, W, b.reshape(1, _E))
    out_t, idx_t = _route(logits_t, B, S)
    return out_t.transpose(0, 2, 1), idx_t.transpose(0, 2, 1)

# --- scband reference (transcript-rebuilt; emitter-appended) ---
"""Pipeline reference for scband-topk-router-8512625180881 (READ-ONLY COPY).

The authoritative reference and input builder live on the scoring server;
editing this copy changes nothing except your own understanding.
"""

import jax, jax.numpy as jnp
import numpy as np

D_MODEL = 2048
NUM_EXPERTS = 16
TOP_K = 2

def setup_inputs(seed: int = 0) -> dict:
    key = jax.random.key(seed)
    k1, k2 = jax.random.split(key, 2)
    x = jax.random.normal(k1, (2, 4096, D_MODEL), dtype=jnp.float32)
    # torch.nn.Linear(d_model, num_of_experts): weight [E, d_model], bias [E]
    bound = 1.0 / np.sqrt(D_MODEL)
    W = jax.random.uniform(k2, (NUM_EXPERTS, D_MODEL), dtype=jnp.float32, minval=-bound, maxval=bound)
    b = jnp.zeros((NUM_EXPERTS,), dtype=jnp.float32)
    return {"x": x, "W": W, "b": b}

def reference(x, W, b):
    # out_1 = self.router(x)
    out1 = jnp.einsum('bsd,ed->bse', x, W) + b
    # max_k, max_k_index = torch.topk(out_1, k=top_k, dim=-1)
    maxk, maxk_idx = jax.lax.top_k(out1, TOP_K)
    B, S, E = out1.shape
    # gating = full_like(out_1, -inf); sparse_top_k = gating.scatter(-1, idx, max_k)
    flat = out1.reshape(-1, E)
    rows = jnp.arange(flat.shape[0])[:, None]
    sparse_flat = jnp.full((flat.shape[0], E), -jnp.inf, dtype=flat.dtype)
    sparse_flat = sparse_flat.at[rows, maxk_idx.reshape(-1, TOP_K)].set(maxk.reshape(-1, TOP_K))
    sparse_top_k = sparse_flat.reshape(B, S, E)
    # softmax over experts dim
    sf_sparse_topk = jax.nn.softmax(sparse_top_k, axis=-1)
    return (sf_sparse_topk, maxk_idx)

if __name__ == "__main__":
    import jax
    _d = setup_inputs()
    print(jax.jit(kernel)(*tuple(_d.values())))

</pallas_src>

<mosaic_0001>
#map = affine_map<(d0, d1) -> (0, 0)>
#map1 = affine_map<(d0, d1) -> (0, 0, 0)>
module attributes {stable_mosaic.version = 14 : i64} {
  func.func @_route_body(%arg0: i32, %arg1: i32, %arg2: memref<16x8192xf32, #tpu.memory_space<hbm>>, %arg3: memref<2x16x4096xf32, #tpu.memory_space<hbm>>, %arg4: memref<2x2x4096xi32, #tpu.memory_space<hbm>>, %arg5: memref<16x256xf32, #tpu.memory_space<vmem>>, %arg6: memref<16x256xf32, #tpu.memory_space<vmem>>, %arg7: memref<2x256xi32, #tpu.memory_space<vmem>>) attributes {dimension_semantics = [#tpu.dimension_semantics<core_parallel>, #tpu.dimension_semantics<subcore_parallel>], iteration_bounds = array<i64: 2, 16>, scalar_prefetch = 0 : i64, scratch_operands = 3 : i64, tpu.core_type = #tpu.core_type<sc_vector_subcore>, window_params = [{transform_indices = #map}, {transform_indices = #map1}, {transform_indices = #map1}]} {
    %mul3A = arith.constant 2 : i32
    %mul3A_0 = arith.muli %arg1, %mul3A : i32
    %add3A = arith.addi %mul3A_0, %arg0 : i32
    %mul3A_1 = arith.constant 256 : i32
    %mul3A_2 = arith.muli %add3A, %mul3A_1 : i32
    %jit3A = arith.constant 16 : i32
    %div3A = arith.divsi %add3A, %jit3A : i32
    %sign3A = arith.constant 0 : i32
    %sign3A_3 = arith.cmpi sgt, %add3A, %sign3A : i32
    %sign3A_4 = arith.extui %sign3A_3 : i1 to i32
    %sign3A_5 = arith.constant 0 : i32
    %sign3A_6 = arith.cmpi slt, %add3A, %sign3A_5 : i32
    %sign3A_7 = arith.extui %sign3A_6 : i1 to i32
    %sign3A_8 = arith.subi %sign3A_4, %sign3A_7 : i32
    %sign3A_9 = arith.constant 0 : i32
    %sign3A_10 = arith.cmpi sgt, %jit3A, %sign3A_9 : i32
    %sign3A_11 = arith.extui %sign3A_10 : i1 to i32
    %sign3A_12 = arith.constant 0 : i32
    %sign3A_13 = arith.cmpi slt, %jit3A, %sign3A_12 : i32
    %sign3A_14 = arith.extui %sign3A_13 : i1 to i32
    %sign3A_15 = arith.subi %sign3A_11, %sign3A_14 : i32
    %ne3A = arith.cmpi ne, %sign3A_8, %sign3A_15 : i32
    %rem3A = arith.remsi %add3A, %jit3A : i32
    %ne3A_16 = arith.constant 0 : i32
    %ne3A_17 = arith.cmpi ne, %rem3A, %ne3A_16 : i32
    %and3A = arith.andi %ne3A, %ne3A_17 : i1
    %sub3A = arith.constant 1 : i32
    %sub3A_18 = arith.subi %div3A, %sub3A : i32
    %select_n3A = arith.select %and3A, %sub3A_18, %div3A : i32
    %jit3A_19 = arith.constant 16 : i32
    %eq3A = arith.constant 0 : i32
    %eq3A_20 = arith.cmpi eq, %jit3A_19, %eq3A : i32
    %jit3A_21 = arith.constant 1 : i32
    %select_n3A_22 = arith.select %eq3A_20, %jit3A_21, %jit3A_19 : i32
    %rem3A_23 = arith.remsi %add3A, %select_n3A_22 : i32
    %ne3A_24 = arith.constant 0 : i32
    %ne3A_25 = arith.cmpi ne, %rem3A_23, %ne3A_24 : i32
    %lt3A = arith.constant 0 : i32
    %lt3A_26 = arith.cmpi slt, %rem3A_23, %lt3A : i32
    %lt3A_27 = arith.constant 0 : i32
    %lt3A_28 = arith.cmpi slt, %select_n3A_22, %lt3A_27 : i32
    %ne3A_29 = arith.xori %lt3A_26, %lt3A_28 : i1
    %and3A_30 = arith.andi %ne3A_29, %ne3A_25 : i1
    %add3A_31 = arith.addi %rem3A_23, %select_n3A_22 : i32
    %select_n3A_32 = arith.select %and3A_30, %add3A_31, %rem3A_23 : i32
    %mul3A_33 = arith.constant 256 : i32
    %mul3A_34 = arith.muli %select_n3A_32, %mul3A_33 : i32
    "tpu.region"() ({
      %run_scoped3A = tpu.sem_alloc : memref<!tpu.dma_semaphore, #tpu.memory_space<semaphore_mem>>
      %dma_start3A = arith.constant 0 : i32
      %dma_start3A_44 = tpu.memref_slice %arg2[%dma_start3A, %mul3A_2] : memref<16x8192xf32, #tpu.memory_space<hbm>> -> memref<16x256xf32, #tpu.memory_space<hbm>>
      %dma_start3A_45 = arith.constant 0 : i32
      %dma_start3A_46 = tpu.memref_slice %arg2[%dma_start3A_45, %mul3A_2] : memref<16x8192xf32, #tpu.memory_space<hbm>> -> memref<16x256xf32, #tpu.memory_space<hbm>>
      tpu.enqueue_dma source(%dma_start3A_46 : memref<16x256xf32, #tpu.memory_space<hbm>>) target(%arg5 : memref<16x256xf32, #tpu.memory_space<vmem>>) target_semaphore(%run_scoped3A : memref<!tpu.dma_semaphore, #tpu.memory_space<semaphore_mem>>)
      %dma_wait3A = arith.constant 0 : i32
      %dma_wait3A_47 = tpu.memref_slice %arg2[%dma_wait3A, %mul3A_2] : memref<16x8192xf32, #tpu.memory_space<hbm>> -> memref<16x256xf32, #tpu.memory_space<hbm>>
      %dma_wait3A_48 = arith.constant 0 : i32
      %dma_wait3A_49 = tpu.memref_slice %arg2[%dma_wait3A_48, %mul3A_2] : memref<16x8192xf32, #tpu.memory_space<hbm>> -> memref<16x256xf32, #tpu.memory_space<hbm>>
      tpu.wait_dma2 semaphore(%run_scoped3A : memref<!tpu.dma_semaphore, #tpu.memory_space<semaphore_mem>>) src(%dma_wait3A_49 : memref<16x256xf32, #tpu.memory_space<hbm>>) dst(%arg5 : memref<16x256xf32, #tpu.memory_space<vmem>>)
      tpu.yield
    }) : () -> ()
    %broadcast_in_dim3A = arith.constant 0xFF800000 : f32
    %broadcast_in_dim3A_35 = vector.broadcast %broadcast_in_dim3A : f32 to vector<16xf32>
    %broadcast_in_dim3A_36 = arith.constant 0.000000e+00 : f32
    %broadcast_in_dim3A_37 = vector.broadcast %broadcast_in_dim3A_36 : f32 to vector<16xf32>
    %broadcast_in_dim3A_38 = arith.constant 0 : i32
    %broadcast_in_dim3A_39 = vector.broadcast %broadcast_in_dim3A_38 : i32 to vector<16xi32>
    %scan3A = arith.constant 0 : i32
    %scan3A_40 = arith.constant 16 : i32
    %scan3A_41 = arith.addi %scan3A, %scan3A_40 : i32
    %scan3A_42 = arith.constant 1 : i32
    scf.for %scan3A_44 = %scan3A to %scan3A_41 step %scan3A_42  : i32 {
      %mul3A_45 = arith.constant 16 : i32
      %mul3A_46 = arith.muli %scan3A_44, %mul3A_45 : i32
      %get3A = arith.constant 0 : i32
      %get3A_47 = arith.index_cast %get3A : i32 to index
      %get3A_48 = arith.index_cast %mul3A_46 : i32 to index
      %get3A_49 = tpu.vector_load %arg5[%get3A_47, %get3A_48] {strides = array<i32>} : memref<16x256xf32, #tpu.memory_space<vmem>>, vector<1x16xf32>,
      %get3A_50 = vector.shape_cast %get3A_49 : vector<1x16xf32> to vector<16xf32>
      %get3A_51 = arith.constant 1 : i32
      %get3A_52 = arith.index_cast %get3A_51 : i32 to index
      %get3A_53 = arith.index_cast %mul3A_46 : i32 to index
      %get3A_54 = tpu.vector_load %arg5[%get3A_52, %get3A_53] {strides = array<i32>} : memref<16x256xf32, #tpu.memory_space<vmem>>, vector<1x16xf32>,
      %get3A_55 = vector.shape_cast %get3A_54 : vector<1x16xf32> to vector<16xf32>
      %gt3A = arith.cmpf ogt, %get3A_55, %get3A_50 : vector<16xf32>
      %gt3A_56 = arith.cmpf ogt, %get3A_55, %broadcast_in_dim3A_35 : vector<16xf32>
      %select_n3A_57 = arith.select %gt3A_56, %get3A_55, %broadcast_in_dim3A_35 : vector<16xi1>, vector<16xf32>
      %select_n3A_58 = arith.select %gt3A, %get3A_50, %select_n3A_57 : vector<16xi1>, vector<16xf32>
      %jit3A_59 = arith.constant 1 : i32
      %broadcast_in_dim3A_60 = vector.broadcast %jit3A_59 : i32 to vector<16xi32>
      %select_n3A_61 = arith.select %gt3A_56, %broadcast_in_dim3A_60, %broadcast_in_dim3A_39 : vector<16xi1>, vector<16xi32>
      %select_n3A_62 = arith.select %gt3A, %broadcast_in_dim3A_39, %select_n3A_61 : vector<16xi1>, vector<16xi32>
      %select_n3A_63 = arith.select %gt3A, %get3A_55, %get3A_50 : vector<16xi1>, vector<16xf32>
      %jit3A_64 = arith.constant 1 : i32
      %broadcast_in_dim3A_65 = vector.broadcast %jit3A_64 : i32 to vector<16xi32>
      %select_n3A_66 = arith.select %gt3A, %broadcast_in_dim3A_65, %broadcast_in_dim3A_39 : vector<16xi1>, vector<16xi32>
      %get3A_67 = arith.constant 2 : i32
      %get3A_68 = arith.index_cast %get3A_67 : i32 to index
      %get3A_69 = arith.index_cast %mul3A_46 : i32 to index
      %get3A_70 = tpu.vector_load %arg5[%get3A_68, %get3A_69] {strides = array<i32>} : memref<16x256xf32, #tpu.memory_space<vmem>>, vector<1x16xf32>,
      %get3A_71 = vector.shape_cast %get3A_70 : vector<1x16xf32> to vector<16xf32>
      %gt3A_72 = arith.cmpf ogt, %get3A_71, %select_n3A_63 : vector<16xf32>
      %gt3A_73 = arith.cmpf ogt, %get3A_71, %select_n3A_58 : vector<16xf32>
      %select_n3A_74 = arith.select %gt3A_73, %get3A_71, %select_n3A_58 : vector<16xi1>, vector<16xf32>
      %select_n3A_75 = arith.select %gt3A_72, %select_n3A_63, %select_n3A_74 : vector<16xi1>, vector<16xf32>
      %jit3A_76 = arith.constant 2 : i32
      %broadcast_in_dim3A_77 = vector.broadcast %jit3A_76 : i32 to vector<16xi32>
      %select_n3A_78 = arith.select %gt3A_73, %broadcast_in_dim3A_77, %select_n3A_62 : vector<16xi1>, vector<16xi32>
      %select_n3A_79 = arith.select %gt3A_72, %select_n3A_66, %select_n3A_78 : vector<16xi1>, vector<16xi32>
      %select_n3A_80 = arith.select %gt3A_72, %get3A_71, %select_n3A_63 : vector<16xi1>, vector<16xf32>
      %jit3A_81 = arith.constant 2 : i32
      %broadcast_in_dim3A_82 = vector.broadcast %jit3A_81 : i32 to vector<16xi32>
      %select_n3A_83 = arith.select %gt3A_72, %broadcast_in_dim3A_82, %select_n3A_66 : vector<16xi1>, vector<16xi32>
      %get3A_84 = arith.constant 3 : i32
      %get3A_85 = arith.index_cast %get3A_84 : i32 to index
      %get3A_86 = arith.index_cast %mul3A_46 : i32 to index
      %get3A_87 = tpu.vector_load %arg5[%get3A_85, %get3A_86] {strides = array<i32>} : memref<16x256xf32, #tpu.memory_space<vmem>>, vector<1x16xf32>,
      %get3A_88 = vector.shape_cast %get3A_87 : vector<1x16xf32> to vector<16xf32>
      %gt3A_89 = arith.cmpf ogt, %get3A_88, %select_n3A_80 : vector<16xf32>
      %gt3A_90 = arith.cmpf ogt, %get3A_88, %select_n3A_75 : vector<16xf32>
      %select_n3A_91 = arith.select %gt3A_90, %get3A_88, %select_n3A_75 : vector<16xi1>, vector<16xf32>
      %select_n3A_92 = arith.select %gt3A_89, %select_n3A_80, %select_n3A_91 : vector<16xi1>, vector<16xf32>
      %jit3A_93 = arith.constant 3 : i32
      %broadcast_in_dim3A_94 = vector.broadcast %jit3A_93 : i32 to vector<16xi32>
      %select_n3A_95 = arith.select %gt3A_90, %broadcast_in_dim3A_94, %select_n3A_79 : vector<16xi1>, vector<16xi32>
      %select_n3A_96 = arith.select %gt3A_89, %select_n3A_83, %select_n3A_95 : vector<16xi1>, vector<16xi32>
      %select_n3A_97 = arith.select %gt3A_89, %get3A_88, %select_n3A_80 : vector<16xi1>, vector<16xf32>
      %jit3A_98 = arith.constant 3 : i32
      %broadcast_in_dim3A_99 = vector.broadcast %jit3A_98 : i32 to vector<16xi32>
      %select_n3A_100 = arith.select %gt3A_89, %broadcast_in_dim3A_99, %select_n3A_83 : vector<16xi1>, vector<16xi32>
      %get3A_101 = arith.constant 4 : i32
      %get3A_102 = arith.index_cast %get3A_101 : i32 to index
      %get3A_103 = arith.index_cast %mul3A_46 : i32 to index
      %get3A_104 = tpu.vector_load %arg5[%get3A_102, %get3A_103] {strides = array<i32>} : memref<16x256xf32, #tpu.memory_space<vmem>>, vector<1x16xf32>,
      %get3A_105 = vector.shape_cast %get3A_104 : vector<1x16xf32> to vector<16xf32>
      %gt3A_106 = arith.cmpf ogt, %get3A_105, %select_n3A_97 : vector<16xf32>
      %gt3A_107 = arith.cmpf ogt, %get3A_105, %select_n3A_92 : vector<16xf32>
      %select_n3A_108 = arith.select %gt3A_107, %get3A_105, %select_n3A_92 : vector<16xi1>, vector<16xf32>
      %select_n3A_109 = arith.select %gt3A_106, %select_n3A_97, %select_n3A_108 : vector<16xi1>, vector<16xf32>
      %jit3A_110 = arith.constant 4 : i32
      %broadcast_in_dim3A_111 = vector.broadcast %jit3A_110 : i32 to vector<16xi32>
      %select_n3A_112 = arith.select %gt3A_107, %broadcast_in_dim3A_111, %select_n3A_96 : vector<16xi1>, vector<16xi32>
      %select_n3A_113 = arith.select %gt3A_106, %select_n3A_100, %select_n3A_112 : vector<16xi1>, vector<16xi32>
      %select_n3A_114 = arith.select %gt3A_106, %get3A_105, %select_n3A_97 : vector<16xi1>, vector<16xf32>
      %jit3A_115 = arith.constant 4 : i32
      %broadcast_in_dim3A_116 = vector.broadcast %jit3A_115 : i32 to vector<16xi32>
      %select_n3A_117 = arith.select %gt3A_106, %broadcast_in_dim3A_116, %select_n3A_100 : vector<16xi1>, vector<16xi32>
      %get3A_118 = arith.constant 5 : i32
      %get3A_119 = arith.index_cast %get3A_118 : i32 to index
      %get3A_120 = arith.index_cast %mul3A_46 : i32 to index
      %get3A_121 = tpu.vector_load %arg5[%get3A_119, %get3A_120] {strides = array<i32>} : memref<16x256xf32, #tpu.memory_space<vmem>>, vector<1x16xf32>,
      %get3A_122 = vector.shape_cast %get3A_121 : vector<1x16xf32> to vector<16xf32>
      %gt3A_123 = arith.cmpf ogt, %get3A_122, %select_n3A_114 : vector<16xf32>
      %gt3A_124 = arith.cmpf ogt, %get3A_122, %select_n3A_109 : vector<16xf32>
      %select_n3A_125 = arith.select %gt3A_124, %get3A_122, %select_n3A_109 : vector<16xi1>, vector<16xf32>
      %select_n3A_126 = arith.select %gt3A_123, %select_n3A_114, %select_n3A_125 : vector<16xi1>, vector<16xf32>
      %jit3A_127 = arith.constant 5 : i32
      %broadcast_in_dim3A_128 = vector.broadcast %jit3A_127 : i32 to vector<16xi32>
      %select_n3A_129 = arith.select %gt3A_124, %broadcast_in_dim3A_128, %select_n3A_113 : vector<16xi1>, vector<16xi32>
      %select_n3A_130 = arith.select %gt3A_123, %select_n3A_117, %select_n3A_129 : vector<16xi1>, vector<16xi32>
      %select_n3A_131 = arith.select %gt3A_123, %get3A_122, %select_n3A_114 : vector<16xi1>, vector<16xf32>
      %jit3A_132 = arith.constant 5 : i32
      %broadcast_in_dim3A_133 = vector.broadcast %jit3A_132 : i32 to vector<16xi32>
      %select_n3A_134 = arith.select %gt3A_123, %broadcast_in_dim3A_133, %select_n3A_117 : vector<16xi1>, vector<16xi32>
      %get3A_135 = arith.constant 6 : i32
      %get3A_136 = arith.index_cast %get3A_135 : i32 to index
      %get3A_137 = arith.index_cast %mul3A_46 : i32 to index
      %get3A_138 = tpu.vector_load %arg5[%get3A_136, %get3A_137] {strides = array<i32>} : memref<16x256xf32, #tpu.memory_space<vmem>>, vector<1x16xf32>,
      %get3A_139 = vector.shape_cast %get3A_138 : vector<1x16xf32> to vector<16xf32>
      %gt3A_140 = arith.cmpf ogt, %get3A_139, %select_n3A_131 : vector<16xf32>
      %gt3A_141 = arith.cmpf ogt, %get3A_139, %select_n3A_126 : vector<16xf32>
      %select_n3A_142 = arith.select %gt3A_141, %get3A_139, %select_n3A_126 : vector<16xi1>, vector<16xf32>
      %select_n3A_143 = arith.select %gt3A_140, %select_n3A_131, %select_n3A_142 : vector<16xi1>, vector<16xf32>
      %jit3A_144 = arith.constant 6 : i32
      %broadcast_in_dim3A_145 = vector.broadcast %jit3A_144 : i32 to vector<16xi32>
      %select_n3A_146 = arith.select %gt3A_141, %broadcast_in_dim3A_145, %select_n3A_130 : vector<16xi1>, vector<16xi32>
      %select_n3A_147 = arith.select %gt3A_140, %select_n3A_134, %select_n3A_146 : vector<16xi1>, vector<16xi32>
      %select_n3A_148 = arith.select %gt3A_140, %get3A_139, %select_n3A_131 : vector<16xi1>, vector<16xf32>
      %jit3A_149 = arith.constant 6 : i32
      %broadcast_in_dim3A_150 = vector.broadcast %jit3A_149 : i32 to vector<16xi32>
      %select_n3A_151 = arith.select %gt3A_140, %broadcast_in_dim3A_150, %select_n3A_134 : vector<16xi1>, vector<16xi32>
      %get3A_152 = arith.constant 7 : i32
      %get3A_153 = arith.index_cast %get3A_152 : i32 to index
      %get3A_154 = arith.index_cast %mul3A_46 : i32 to index
      %get3A_155 = tpu.vector_load %arg5[%get3A_153, %get3A_154] {strides = array<i32>} : memref<16x256xf32, #tpu.memory_space<vmem>>, vector<1x16xf32>,
      %get3A_156 = vector.shape_cast %get3A_155 : vector<1x16xf32> to vector<16xf32>
      %gt3A_157 = arith.cmpf ogt, %get3A_156, %select_n3A_148 : vector<16xf32>
      %gt3A_158 = arith.cmpf ogt, %get3A_156, %select_n3A_143 : vector<16xf32>
      %select_n3A_159 = arith.select %gt3A_158, %get3A_156, %select_n3A_143 : vector<16xi1>, vector<16xf32>
      %select_n3A_160 = arith.select %gt3A_157, %select_n3A_148, %select_n3A_159 : vector<16xi1>, vector<16xf32>
      %jit3A_161 = arith.constant 7 : i32
      %broadcast_in_dim3A_162 = vector.broadcast %jit3A_161 : i32 to vector<16xi32>
      %select_n3A_163 = arith.select %gt3A_158, %broadcast_in_dim3A_162, %select_n3A_147 : vector<16xi1>, vector<16xi32>
      %select_n3A_164 = arith.select %gt3A_157, %select_n3A_151, %select_n3A_163 : vector<16xi1>, vector<16xi32>
      %select_n3A_165 = arith.select %gt3A_157, %get3A_156, %select_n3A_148 : vector<16xi1>, vector<16xf32>
      %jit3A_166 = arith.constant 7 : i32
      %broadcast_in_dim3A_167 = vector.broadcast %jit3A_166 : i32 to vector<16xi32>
      %select_n3A_168 = arith.select %gt3A_157, %broadcast_in_dim3A_167, %select_n3A_151 : vector<16xi1>, vector<16xi32>
      %get3A_169 = arith.constant 8 : i32
      %get3A_170 = arith.index_cast %get3A_169 : i32 to index
      %get3A_171 = arith.index_cast %mul3A_46 : i32 to index
      %get3A_172 = tpu.vector_load %arg5[%get3A_170, %get3A_171] {strides = array<i32>} : memref<16x256xf32, #tpu.memory_space<vmem>>, vector<1x16xf32>,
      %get3A_173 = vector.shape_cast %get3A_172 : vector<1x16xf32> to vector<16xf32>
      %gt3A_174 = arith.cmpf ogt, %get3A_173, %select_n3A_165 : vector<16xf32>
      %gt3A_175 = arith.cmpf ogt, %get3A_173, %select_n3A_160 : vector<16xf32>
      %select_n3A_176 = arith.select %gt3A_175, %get3A_173, %select_n3A_160 : vector<16xi1>, vector<16xf32>
      %select_n3A_177 = arith.select %gt3A_174, %select_n3A_165, %select_n3A_176 : vector<16xi1>, vector<16xf32>
      %jit3A_178 = arith.constant 8 : i32
      %broadcast_in_dim3A_179 = vector.broadcast %jit3A_178 : i32 to vector<16xi32>
      %select_n3A_180 = arith.select %gt3A_175, %broadcast_in_dim3A_179, %select_n3A_164 : vector<16xi1>, vector<16xi32>
      %select_n3A_181 = arith.select %gt3A_174, %select_n3A_168, %select_n3A_180 : vector<16xi1>, vector<16xi32>
      %select_n3A_182 = arith.select %gt3A_174, %get3A_173, %select_n3A_165 : vector<16xi1>, vector<16xf32>
      %jit3A_183 = arith.constant 8 : i32
      %broadcast_in_dim3A_184 = vector.broadcast %jit3A_183 : i32 to vector<16xi32>
      %select_n3A_185 = arith.select %gt3A_174, %broadcast_in_dim3A_184, %select_n3A_168 : vector<16xi1>, vector<16xi32>
      %get3A_186 = arith.constant 9 : i32
      %get3A_187 = arith.index_cast %get3A_186 : i32 to index
      %get3A_188 = arith.index_cast %mul3A_46 : i32 to index
      %get3A_189 = tpu.vector_load %arg5[%get3A_187, %get3A_188] {strides = array<i32>} : memref<16x256xf32, #tpu.memory_space<vmem>>, vector<1x16xf32>,
      %get3A_190 = vector.shape_cast %get3A_189 : vector<1x16xf32> to vector<16xf32>
      %gt3A_191 = arith.cmpf ogt, %get3A_190, %select_n3A_182 : vector<16xf32>
      %gt3A_192 = arith.cmpf ogt, %get3A_190, %select_n3A_177 : vector<16xf32>
      %select_n3A_193 = arith.select %gt3A_192, %get3A_190, %select_n3A_177 : vector<16xi1>, vector<16xf32>
      %select_n3A_194 = arith.select %gt3A_191, %select_n3A_182, %select_n3A_193 : vector<16xi1>, vector<16xf32>
      %jit3A_195 = arith.constant 9 : i32
      %broadcast_in_dim3A_196 = vector.broadcast %jit3A_195 : i32 to vector<16xi32>
      %select_n3A_197 = arith.select %gt3A_192, %broadcast_in_dim3A_196, %select_n3A_181 : vector<16xi1>, vector<16xi32>
      %select_n3A_198 = arith.select %gt3A_191, %select_n3A_185, %select_n3A_197 : vector<16xi1>, vector<16xi32>
      %select_n3A_199 = arith.select %gt3A_191, %get3A_190, %select_n3A_182 : vector<16xi1>, vector<16xf32>
      %jit3A_200 = arith.constant 9 : i32
      %broadcast_in_dim3A_201 = vector.broadcast %jit3A_200 : i32 to vector<16xi32>
      %select_n3A_202 = arith.select %gt3A_191, %broadcast_in_dim3A_201, %select_n3A_185 : vector<16xi1>, vector<16xi32>
      %get3A_203 = arith.constant 10 : i32
      %get3A_204 = arith.index_cast %get3A_203 : i32 to index
      %get3A_205 = arith.index_cast %mul3A_46 : i32 to index
      %get3A_206 = tpu.vector_load %arg5[%get3A_204, %get3A_205] {strides = array<i32>} : memref<16x256xf32, #tpu.memory_space<vmem>>, vector<1x16xf32>,
      %get3A_207 = vector.shape_cast %get3A_206 : vector<1x16xf32> to vector<16xf32>
      %gt3A_208 = arith.cmpf ogt, %get3A_207, %select_n3A_199 : vector<16xf32>
      %gt3A_209 = arith.cmpf ogt, %get3A_207, %select_n3A_194 : vector<16xf32>
      %select_n3A_210 = arith.select %gt3A_209, %get3A_207, %select_n3A_194 : vector<16xi1>, vector<16xf32>
      %select_n3A_211 = arith.select %gt3A_208, %select_n3A_199, %select_n3A_210 : vector<16xi1>, vector<16xf32>
      %jit3A_212 = arith.constant 10 : i32
      %broadcast_in_dim3A_213 = vector.broadcast %jit3A_212 : i32 to vector<16xi32>
      %select_n3A_214 = arith.select %gt3A_209, %broadcast_in_dim3A_213, %select_n3A_198 : vector<16xi1>, vector<16xi32>
      %select_n3A_215 = arith.select %gt3A_208, %select_n3A_202, %select_n3A_214 : vector<16xi1>, vector<16xi32>
      %select_n3A_216 = arith.select %gt3A_208, %get3A_207, %select_n3A_199 : vector<16xi1>, vector<16xf32>
      %jit3A_217 = arith.constant 10 : i32
      %broadcast_in_dim3A_218 = vector.broadcast %jit3A_217 : i32 to vector<16xi32>
      %select_n3A_219 = arith.select %gt3A_208, %broadcast_in_dim3A_218, %select_n3A_202 : vector<16xi1>, vector<16xi32>
      %get3A_220 = arith.constant 11 : i32
      %get3A_221 = arith.index_cast %get3A_220 : i32 to index
      %get3A_222 = arith.index_cast %mul3A_46 : i32 to index
      %get3A_223 = tpu.vector_load %arg5[%get3A_221, %get3A_222] {strides = array<i32>} : memref<16x256xf32, #tpu.memory_space<vmem>>, vector<1x16xf32>,
      %get3A_224 = vector.shape_cast %get3A_223 : vector<1x16xf32> to vector<16xf32>
      %gt3A_225 = arith.cmpf ogt, %get3A_224, %select_n3A_216 : vector<16xf32>
      %gt3A_226 = arith.cmpf ogt, %get3A_224, %select_n3A_211 : vector<16xf32>
      %select_n3A_227 = arith.select %gt3A_226, %get3A_224, %select_n3A_211 : vector<16xi1>, vector<16xf32>
      %select_n3A_228 = arith.select %gt3A_225, %select_n3A_216, %select_n3A_227 : vector<16xi1>, vector<16xf32>
      %jit3A_229 = arith.constant 11 : i32
      %broadcast_in_dim3A_230 = vector.broadcast %jit3A_229 : i32 to vector<16xi32>
      %select_n3A_231 = arith.select %gt3A_226, %broadcast_in_dim3A_230, %select_n3A_215 : vector<16xi1>, vector<16xi32>
      %select_n3A_232 = arith.select %gt3A_225, %select_n3A_219, %select_n3A_231 : vector<16xi1>, vector<16xi32>
      %select_n3A_233 = arith.select %gt3A_225, %get3A_224, %select_n3A_216 : vector<16xi1>, vector<16xf32>
      %jit3A_234 = arith.constant 11 : i32
      %broadcast_in_dim3A_235 = vector.broadcast %jit3A_234 : i32 to vector<16xi32>
      %select_n3A_236 = arith.select %gt3A_225, %broadcast_in_dim3A_235, %select_n3A_219 : vector<16xi1>, vector<16xi32>
      %get3A_237 = arith.constant 12 : i32
      %get3A_238 = arith.index_cast %get3A_237 : i32 to index
      %get3A_239 = arith.index_cast %mul3A_46 : i32 to index
      %get3A_240 = tpu.vector_load %arg5[%get3A_238, %get3A_239] {strides = array<i32>} : memref<16x256xf32, #tpu.memory_space<vmem>>, vector<1x16xf32>,
      %get3A_241 = vector.shape_cast %get3A_240 : vector<1x16xf32> to vector<16xf32>
      %gt3A_242 = arith.cmpf ogt, %get3A_241, %select_n3A_233 : vector<16xf32>
      %gt3A_243 = arith.cmpf ogt, %get3A_241, %select_n3A_228 : vector<16xf32>
      %select_n3A_244 = arith.select %gt3A_243, %get3A_241, %select_n3A_228 : vector<16xi1>, vector<16xf32>
      %select_n3A_245 = arith.select %gt3A_242, %select_n3A_233, %select_n3A_244 : vector<16xi1>, vector<16xf32>
      %jit3A_246 = arith.constant 12 : i32
      %broadcast_in_dim3A_247 = vector.broadcast %jit3A_246 : i32 to vector<16xi32>
      %select_n3A_248 = arith.select %gt3A_243, %broadcast_in_dim3A_247, %select_n3A_232 : vector<16xi1>, vector<16xi32>
      %select_n3A_249 = arith.select %gt3A_242, %select_n3A_236, %select_n3A_248 : vector<16xi1>, vector<16xi32>
      %select_n3A_250 = arith.select %gt3A_242, %get3A_241, %select_n3A_233 : vector<16xi1>, vector<16xf32>
      %jit3A_251 = arith.constant 12 : i32
      %broadcast_in_dim3A_252 = vector.broadcast %jit3A_251 : i32 to vector<16xi32>
      %select_n3A_253 = arith.select %gt3A_242, %broadcast_in_dim3A_252, %select_n3A_236 : vector<16xi1>, vector<16xi32>
      %get3A_254 = arith.constant 13 : i32
      %get3A_255 = arith.index_cast %get3A_254 : i32 to index
      %get3A_256 = arith.index_cast %mul3A_46 : i32 to index
      %get3A_257 = tpu.vector_load %arg5[%get3A_255, %get3A_256] {strides = array<i32>} : memref<16x256xf32, #tpu.memory_space<vmem>>, vector<1x16xf32>,
      %get3A_258 = vector.shape_cast %get3A_257 : vector<1x16xf32> to vector<16xf32>
      %gt3A_259 = arith.cmpf ogt, %get3A_258, %select_n3A_250 : vector<16xf32>
      %gt3A_260 = arith.cmpf ogt, %get3A_258, %select_n3A_245 : vector<16xf32>
      %select_n3A_261 = arith.select %gt3A_260, %get3A_258, %select_n3A_245 : vector<16xi1>, vector<16xf32>
      %select_n3A_262 = arith.select %gt3A_259, %select_n3A_250, %select_n3A_261 : vector<16xi1>, vector<16xf32>
      %jit3A_263 = arith.constant 13 : i32
      %broadcast_in_dim3A_264 = vector.broadcast %jit3A_263 : i32 to vector<16xi32>
      %select_n3A_265 = arith.select %gt3A_260, %broadcast_in_dim3A_264, %select_n3A_249 : vector<16xi1>, vector<16xi32>
      %select_n3A_266 = arith.select %gt3A_259, %select_n3A_253, %select_n3A_265 : vector<16xi1>, vector<16xi32>
      %select_n3A_267 = arith.select %gt3A_259, %get3A_258, %select_n3A_250 : vector<16xi1>, vector<16xf32>
      %jit3A_268 = arith.constant 13 : i32
      %broadcast_in_dim3A_269 = vector.broadcast %jit3A_268 : i32 to vector<16xi32>
      %select_n3A_270 = arith.select %gt3A_259, %broadcast_in_dim3A_269, %select_n3A_253 : vector<16xi1>, vector<16xi32>
      %get3A_271 = arith.constant 14 : i32
      %get3A_272 = arith.index_cast %get3A_271 : i32 to index
      %get3A_273 = arith.index_cast %mul3A_46 : i32 to index
      %get3A_274 = tpu.vector_load %arg5[%get3A_272, %get3A_273] {strides = array<i32>} : memref<16x256xf32, #tpu.memory_space<vmem>>, vector<1x16xf32>,
      %get3A_275 = vector.shape_cast %get3A_274 : vector<1x16xf32> to vector<16xf32>
      %gt3A_276 = arith.cmpf ogt, %get3A_275, %select_n3A_267 : vector<16xf32>
      %gt3A_277 = arith.cmpf ogt, %get3A_275, %select_n3A_262 : vector<16xf32>
      %select_n3A_278 = arith.select %gt3A_277, %get3A_275, %select_n3A_262 : vector<16xi1>, vector<16xf32>
      %select_n3A_279 = arith.select %gt3A_276, %select_n3A_267, %select_n3A_278 : vector<16xi1>, vector<16xf32>
      %jit3A_280 = arith.constant 14 : i32
      %broadcast_in_dim3A_281 = vector.broadcast %jit3A_280 : i32 to vector<16xi32>
      %select_n3A_282 = arith.select %gt3A_277, %broadcast_in_dim3A_281, %select_n3A_266 : vector<16xi1>, vector<16xi32>
      %select_n3A_283 = arith.select %gt3A_276, %select_n3A_270, %select_n3A_282 : vector<16xi1>, vector<16xi32>
      %select_n3A_284 = arith.select %gt3A_276, %get3A_275, %select_n3A_267 : vector<16xi1>, vector<16xf32>
      %jit3A_285 = arith.constant 14 : i32
      %broadcast_in_dim3A_286 = vector.broadcast %jit3A_285 : i32 to vector<16xi32>
      %select_n3A_287 = arith.select %gt3A_276, %broadcast_in_dim3A_286, %select_n3A_270 : vector<16xi1>, vector<16xi32>
      %get3A_288 = arith.constant 15 : i32
      %get3A_289 = arith.index_cast %get3A_288 : i32 to index
      %get3A_290 = arith.index_cast %mul3A_46 : i32 to index
      %get3A_291 = tpu.vector_load %arg5[%get3A_289, %get3A_290] {strides = array<i32>} : memref<16x256xf32, #tpu.memory_space<vmem>>, vector<1x16xf32>,
      %get3A_292 = vector.shape_cast %get3A_291 : vector<1x16xf32> to vector<16xf32>
      %gt3A_293 = arith.cmpf ogt, %get3A_292, %select_n3A_284 : vector<16xf32>
      %gt3A_294 = arith.cmpf ogt, %get3A_292, %select_n3A_279 : vector<16xf32>
      %select_n3A_295 = arith.select %gt3A_294, %get3A_292, %select_n3A_279 : vector<16xi1>, vector<16xf32>
      %select_n3A_296 = arith.select %gt3A_293, %select_n3A_284, %select_n3A_295 : vector<16xi1>, vector<16xf32>
      %jit3A_297 = arith.constant 15 : i32
      %broadcast_in_dim3A_298 = vector.broadcast %jit3A_297 : i32 to vector<16xi32>
      %select_n3A_299 = arith.select %gt3A_294, %broadcast_in_dim3A_298, %select_n3A_283 : vector<16xi1>, vector<16xi32>
      %select_n3A_300 = arith.select %gt3A_293, %select_n3A_287, %select_n3A_299 : vector<16xi1>, vector<16xi32>
      %select_n3A_301 = arith.select %gt3A_293, %get3A_292, %select_n3A_284 : vector<16xi1>, vector<16xf32>
      %jit3A_302 = arith.constant 15 : i32
      %broadcast_in_dim3A_303 = vector.broadcast %jit3A_302 : i32 to vector<16xi32>
      %select_n3A_304 = arith.select %gt3A_293, %broadcast_in_dim3A_303, %select_n3A_287 : vector<16xi1>, vector<16xi32>
      %sub3A_305 = arith.subf %select_n3A_296, %select_n3A_301 : vector<16xf32>
      %exp3A = math.exp %sub3A_305 : vector<16xf32>
      %add3A_306 = arith.constant 1.000000e+00 : f32
      %add3A_307 = vector.broadcast %add3A_306 : f32 to vector<16xf32>
      %add3A_308 = arith.addf %add3A_307, %exp3A : vector<16xf32>
      %div3A_309 = arith.constant 1.000000e+00 : f32
      %div3A_310 = vector.broadcast %div3A_309 : f32 to vector<16xf32>
      %div3A_311 = arith.divf %div3A_310, %add3A_308 : vector<16xf32>
      %div3A_312 = arith.divf %exp3A, %add3A_308 : vector<16xf32>
      %eq3A_313 = arith.constant 0 : i32
      %eq3A_314 = vector.broadcast %eq3A_313 : i32 to vector<16xi32>
      %eq3A_315 = arith.cmpi eq, %select_n3A_304, %eq3A_314 : vector<16xi32>
      %eq3A_316 = arith.constant 0 : i32
      %eq3A_317 = vector.broadcast %eq3A_316 : i32 to vector<16xi32>
      %eq3A_318 = arith.cmpi eq, %select_n3A_300, %eq3A_317 : vector<16xi32>
      %select_n3A_319 = arith.select %eq3A_318, %div3A_312, %broadcast_in_dim3A_37 : vector<16xi1>, vector<16xf32>
      %select_n3A_320 = arith.select %eq3A_315, %div3A_311, %select_n3A_319 : vector<16xi1>, vector<16xf32>
      %swap3A = arith.constant 0 : i32
      %swap3A_321 = arith.index_cast %swap3A : i32 to index
      %swap3A_322 = arith.index_cast %mul3A_46 : i32 to index
      %swap3A_323 = tpu.vector_load %arg6[%swap3A_321, %swap3A_322] {strides = array<i32>} : memref<16x256xf32, #tpu.memory_space<vmem>>, vector<1x16xf32>,
      %swap3A_324 = vector.shape_cast %swap3A_323 : vector<1x16xf32> to vector<16xf32>
      %swap3A_325 = vector.shape_cast %select_n3A_320 : vector<16xf32> to vector<1x16xf32>
      tpu.vector_store %arg6[%swap3A_321, %swap3A_322], %swap3A_325 {strides = array<i32>} : memref<16x256xf32, #tpu.memory_space<vmem>>, vector<1x16xf32>,
      %eq3A_326 = arith.constant 1 : i32
      %eq3A_327 = vector.broadcast %eq3A_326 : i32 to vector<16xi32>
      %eq3A_328 = arith.cmpi eq, %select_n3A_304, %eq3A_327 : vector<16xi32>
      %eq3A_329 = arith.constant 1 : i32
      %eq3A_330 = vector.broadcast %eq3A_329 : i32 to vector<16xi32>
      %eq3A_331 = arith.cmpi eq, %select_n3A_300, %eq3A_330 : vector<16xi32>
      %select_n3A_332 = arith.select %eq3A_331, %div3A_312, %broadcast_in_dim3A_37 : vector<16xi1>, vector<16xf32>
      %select_n3A_333 = arith.select %eq3A_328, %div3A_311, %select_n3A_332 : vector<16xi1>, vector<16xf32>
      %swap3A_334 = arith.constant 1 : i32
      %swap3A_335 = arith.index_cast %swap3A_334 : i32 to index
      %swap3A_336 = arith.index_cast %mul3A_46 : i32 to index
      %swap3A_337 = tpu.vector_load %arg6[%swap3A_335, %swap3A_336] {strides = array<i32>} : memref<16x256xf32, #tpu.memory_space<vmem>>, vector<1x16xf32>,
      %swap3A_338 = vector.shape_cast %swap3A_337 : vector<1x16xf32> to vector<16xf32>
      %swap3A_339 = vector.shape_cast %select_n3A_333 : vector<16xf32> to vector<1x16xf32>
      tpu.vector_store %arg6[%swap3A_335, %swap3A_336], %swap3A_339 {strides = array<i32>} : memref<16x256xf32, #tpu.memory_space<vmem>>, vector<1x16xf32>,
      %eq3A_340 = arith.constant 2 : i32
      %eq3A_341 = vector.broadcast %eq3A_340 : i32 to vector<16xi32>
      %eq3A_342 = arith.cmpi eq, %select_n3A_304, %eq3A_341 : vector<16xi32>
      %eq3A_343 = arith.constant 2 : i32
      %eq3A_344 = vector.broadcast %eq3A_343 : i32 to vector<16xi32>
      %eq3A_345 = arith.cmpi eq, %select_n3A_300, %eq3A_344 : vector<16xi32>
      %select_n3A_346 = arith.select %eq3A_345, %div3A_312, %broadcast_in_dim3A_37 : vector<16xi1>, vector<16xf32>
      %select_n3A_347 = arith.select %eq3A_342, %div3A_311, %select_n3A_346 : vector<16xi1>, vector<16xf32>
      %swap3A_348 = arith.constant 2 : i32
      %swap3A_349 = arith.index_cast %swap3A_348 : i32 to index
      %swap3A_350 = arith.index_cast %mul3A_46 : i32 to index
      %swap3A_351 = tpu.vector_load %arg6[%swap3A_349, %swap3A_350] {strides = array<i32>} : memref<16x256xf32, #tpu.memory_space<vmem>>, vector<1x16xf32>,
      %swap3A_352 = vector.shape_cast %swap3A_351 : vector<1x16xf32> to vector<16xf32>
      %swap3A_353 = vector.shape_cast %select_n3A_347 : vector<16xf32> to vector<1x16xf32>
      tpu.vector_store %arg6[%swap3A_349, %swap3A_350], %swap3A_353 {strides = array<i32>} : memref<16x256xf32, #tpu.memory_space<vmem>>, vector<1x16xf32>,
      %eq3A_354 = arith.constant 3 : i32
      %eq3A_355 = vector.broadcast %eq3A_354 : i32 to vector<16xi32>
      %eq3A_356 = arith.cmpi eq, %select_n3A_304, %eq3A_355 : vector<16xi32>
      %eq3A_357 = arith.constant 3 : i32
      %eq3A_358 = vector.broadcast %eq3A_357 : i32 to vector<16xi32>
      %eq3A_359 = arith.cmpi eq, %select_n3A_300, %eq3A_358 : vector<16xi32>
      %select_n3A_360 = arith.select %eq3A_359, %div3A_312, %broadcast_in_dim3A_37 : vector<16xi1>, vector<16xf32>
      %select_n3A_361 = arith.select %eq3A_356, %div3A_311, %select_n3A_360 : vector<16xi1>, vector<16xf32>
      %swap3A_362 = arith.constant 3 : i32
      %swap3A_363 = arith.index_cast %swap3A_362 : i32 to index
      %swap3A_364 = arith.index_cast %mul3A_46 : i32 to index
      %swap3A_365 = tpu.vector_load %arg6[%swap3A_363, %swap3A_364] {strides = array<i32>} : memref<16x256xf32, #tpu.memory_space<vmem>>, vector<1x16xf32>,
      %swap3A_366 = vector.shape_cast %swap3A_365 : vector<1x16xf32> to vector<16xf32>
      %swap3A_367 = vector.shape_cast %select_n3A_361 : vector<16xf32> to vector<1x16xf32>
      tpu.vector_store %arg6[%swap3A_363, %swap3A_364], %swap3A_367 {strides = array<i32>} : memref<16x256xf32, #tpu.memory_space<vmem>>, vector<1x16xf32>,
      %eq3A_368 = arith.constant 4 : i32
      %eq3A_369 = vector.broadcast %eq3A_368 : i32 to vector<16xi32>
      %eq3A_370 = arith.cmpi eq, %select_n3A_304, %eq3A_369 : vector<16xi32>
      %eq3A_371 = arith.constant 4 : i32
      %eq3A_372 = vector.broadcast %eq3A_371 : i32 to vector<16xi32>
      %eq3A_373 = arith.cmpi eq, %select_n3A_300, %eq3A_372 : vector<16xi32>
      %select_n3A_374 = arith.select %eq3A_373, %div3A_312, %broadcast_in_dim3A_37 : vector<16xi1>, vector<16xf32>
      %select_n3A_375 = arith.select %eq3A_370, %div3A_311, %select_n3A_374 : vector<16xi1>, vector<16xf32>
      %swap3A_376 = arith.constant 4 : i32
      %swap3A_377 = arith.index_cast %swap3A_376 : i32 to index
      %swap3A_378 = arith.index_cast %mul3A_46 : i32 to index
      %swap3A_379 = tpu.vector_load %arg6[%swap3A_377, %swap3A_378] {strides = array<i32>} : memref<16x256xf32, #tpu.memory_space<vmem>>, vector<1x16xf32>,
      %swap3A_380 = vector.shape_cast %swap3A_379 : vector<1x16xf32> to vector<16xf32>
      %swap3A_381 = vector.shape_cast %select_n3A_375 : vector<16xf32> to vector<1x16xf32>
      tpu.vector_store %arg6[%swap3A_377, %swap3A_378], %swap3A_381 {strides = array<i32>} : memref<16x256xf32, #tpu.memory_space<vmem>>, vector<1x16xf32>,
      %eq3A_382 = arith.constant 5 : i32
      %eq3A_383 = vector.broadcast %eq3A_382 : i32 to vector<16xi32>
      %eq3A_384 = arith.cmpi eq, %select_n3A_304, %eq3A_383 : vector<16xi32>
      %eq3A_385 = arith.constant 5 : i32
      %eq3A_386 = vector.broadcast %eq3A_385 : i32 to vector<16xi32>
      %eq3A_387 = arith.cmpi eq, %select_n3A_300, %eq3A_386 : vector<16xi32>
      %select_n3A_388 = arith.select %eq3A_387, %div3A_312, %broadcast_in_dim3A_37 : vector<16xi1>, vector<16xf32>
      %select_n3A_389 = arith.select %eq3A_384, %div3A_311, %select_n3A_388 : vector<16xi1>, vector<16xf32>
      %swap3A_390 = arith.constant 5 : i32
      %swap3A_391 = arith.index_cast %swap3A_390 : i32 to index
      %swap3A_392 = arith.index_cast %mul3A_46 : i32 to index
      %swap3A_393 = tpu.vector_load %arg6[%swap3A_391, %swap3A_392] {strides = array<i32>} : memref<16x256xf32, #tpu.memory_space<vmem>>, vector<1x16xf32>,
      %swap3A_394 = vector.shape_cast %swap3A_393 : vector<1x16xf32> to vector<16xf32>
      %swap3A_395 = vector.shape_cast %select_n3A_389 : vector<16xf32> to vector<1x16xf32>
      tpu.vector_store %arg6[%swap3A_391, %swap3A_392], %swap3A_395 {strides = array<i32>} : memref<16x256xf32, #tpu.memory_space<vmem>>, vector<1x16xf32>,
      %eq3A_396 = arith.constant 6 : i32
      %eq3A_397 = vector.broadcast %eq3A_396 : i32 to vector<16xi32>
      %eq3A_398 = arith.cmpi eq, %select_n3A_304, %eq3A_397 : vector<16xi32>
      %eq3A_399 = arith.constant 6 : i32
      %eq3A_400 = vector.broadcast %eq3A_399 : i32 to vector<16xi32>
      %eq3A_401 = arith.cmpi eq, %select_n3A_300, %eq3A_400 : vector<16xi32>
      %select_n3A_402 = arith.select %eq3A_401, %div3A_312, %broadcast_in_dim3A_37 : vector<16xi1>, vector<16xf32>
      %select_n3A_403 = arith.select %eq3A_398, %div3A_311, %select_n3A_402 : vector<16xi1>, vector<16xf32>
      %swap3A_404 = arith.constant 6 : i32
      %swap3A_405 = arith.index_cast %swap3A_404 : i32 to index
      %swap3A_406 = arith.index_cast %mul3A_46 : i32 to index
      %swap3A_407 = tpu.vector_load %arg6[%swap3A_405, %swap3A_406] {strides = array<i32>} : memref<16x256xf32, #tpu.memory_space<vmem>>, vector<1x16xf32>,
      %swap3A_408 = vector.shape_cast %swap3A_407 : vector<1x16xf32> to vector<16xf32>
      %swap3A_409 = vector.shape_cast %select_n3A_403 : vector<16xf32> to vector<1x16xf32>
      tpu.vector_store %arg6[%swap3A_405, %swap3A_406], %swap3A_409 {strides = array<i32>} : memref<16x256xf32, #tpu.memory_space<vmem>>, vector<1x16xf32>,
      %eq3A_410 = arith.constant 7 : i32
      %eq3A_411 = vector.broadcast %eq3A_410 : i32 to vector<16xi32>
      %eq3A_412 = arith.cmpi eq, %select_n3A_304, %eq3A_411 : vector<16xi32>
      %eq3A_413 = arith.constant 7 : i32
      %eq3A_414 = vector.broadcast %eq3A_413 : i32 to vector<16xi32>
      %eq3A_415 = arith.cmpi eq, %select_n3A_300, %eq3A_414 : vector<16xi32>
      %select_n3A_416 = arith.select %eq3A_415, %div3A_312, %broadcast_in_dim3A_37 : vector<16xi1>, vector<16xf32>
      %select_n3A_417 = arith.select %eq3A_412, %div3A_311, %select_n3A_416 : vector<16xi1>, vector<16xf32>
      %swap3A_418 = arith.constant 7 : i32
      %swap3A_419 = arith.index_cast %swap3A_418 : i32 to index
      %swap3A_420 = arith.index_cast %mul3A_46 : i32 to index
      %swap3A_421 = tpu.vector_load %arg6[%swap3A_419, %swap3A_420] {strides = array<i32>} : memref<16x256xf32, #tpu.memory_space<vmem>>, vector<1x16xf32>,
      %swap3A_422 = vector.shape_cast %swap3A_421 : vector<1x16xf32> to vector<16xf32>
      %swap3A_423 = vector.shape_cast %select_n3A_417 : vector<16xf32> to vector<1x16xf32>
      tpu.vector_store %arg6[%swap3A_419, %swap3A_420], %swap3A_423 {strides = array<i32>} : memref<16x256xf32, #tpu.memory_space<vmem>>, vector<1x16xf32>,
      %eq3A_424 = arith.constant 8 : i32
      %eq3A_425 = vector.broadcast %eq3A_424 : i32 to vector<16xi32>
      %eq3A_426 = arith.cmpi eq, %select_n3A_304, %eq3A_425 : vector<16xi32>
      %eq3A_427 = arith.constant 8 : i32
      %eq3A_428 = vector.broadcast %eq3A_427 : i32 to vector<16xi32>
      %eq3A_429 = arith.cmpi eq, %select_n3A_300, %eq3A_428 : vector<16xi32>
      %select_n3A_430 = arith.select %eq3A_429, %div3A_312, %broadcast_in_dim3A_37 : vector<16xi1>, vector<16xf32>
      %select_n3A_431 = arith.select %eq3A_426, %div3A_311, %select_n3A_430 : vector<16xi1>, vector<16xf32>
      %swap3A_432 = arith.constant 8 : i32
      %swap3A_433 = arith.index_cast %swap3A_432 : i32 to index
      %swap3A_434 = arith.index_cast %mul3A_46 : i32 to index
      %swap3A_435 = tpu.vector_load %arg6[%swap3A_433, %swap3A_434] {strides = array<i32>} : memref<16x256xf32, #tpu.memory_space<vmem>>, vector<1x16xf32>,
      %swap3A_436 = vector.shape_cast %swap3A_435 : vector<1x16xf32> to vector<16xf32>
      %swap3A_437 = vector.shape_cast %select_n3A_431 : vector<16xf32> to vector<1x16xf32>
      tpu.vector_store %arg6[%swap3A_433, %swap3A_434], %swap3A_437 {strides = array<i32>} : memref<16x256xf32, #tpu.memory_space<vmem>>, vector<1x16xf32>,
      %eq3A_438 = arith.constant 9 : i32
      %eq3A_439 = vector.broadcast %eq3A_438 : i32 to vector<16xi32>
      %eq3A_440 = arith.cmpi eq, %select_n3A_304, %eq3A_439 : vector<16xi32>
      %eq3A_441 = arith.constant 9 : i32
      %eq3A_442 = vector.broadcast %eq3A_441 : i32 to vector<16xi32>
      %eq3A_443 = arith.cmpi eq, %select_n3A_300, %eq3A_442 : vector<16xi32>
      %select_n3A_444 = arith.select %eq3A_443, %div3A_312, %broadcast_in_dim3A_37 : vector<16xi1>, vector<16xf32>
      %select_n3A_445 = arith.select %eq3A_440, %div3A_311, %select_n3A_444 : vector<16xi1>, vector<16xf32>
      %swap3A_446 = arith.constant 9 : i32
      %swap3A_447 = arith.index_cast %swap3A_446 : i32 to index
      %swap3A_448 = arith.index_cast %mul3A_46 : i32 to index
      %swap3A_449 = tpu.vector_load %arg6[%swap3A_447, %swap3A_448] {strides = array<i32>} : memref<16x256xf32, #tpu.memory_space<vmem>>, vector<1x16xf32>,
      %swap3A_450 = vector.shape_cast %swap3A_449 : vector<1x16xf32> to vector<16xf32>
      %swap3A_451 = vector.shape_cast %select_n3A_445 : vector<16xf32> to vector<1x16xf32>
      tpu.vector_store %arg6[%swap3A_447, %swap3A_448], %swap3A_451 {strides = array<i32>} : memref<16x256xf32, #tpu.memory_space<vmem>>, vector<1x16xf32>,
      %eq3A_452 = arith.constant 10 : i32
      %eq3A_453 = vector.broadcast %eq3A_452 : i32 to vector<16xi32>
      %eq3A_454 = arith.cmpi eq, %select_n3A_304, %eq3A_453 : vector<16xi32>
      %eq3A_455 = arith.constant 10 : i32
      %eq3A_456 = vector.broadcast %eq3A_455 : i32 to vector<16xi32>
      %eq3A_457 = arith.cmpi eq, %select_n3A_300, %eq3A_456 : vector<16xi32>
      %select_n3A_458 = arith.select %eq3A_457, %div3A_312, %broadcast_in_dim3A_37 : vector<16xi1>, vector<16xf32>
      %select_n3A_459 = arith.select %eq3A_454, %div3A_311, %select_n3A_458 : vector<16xi1>, vector<16xf32>
      %swap3A_460 = arith.constant 10 : i32
      %swap3A_461 = arith.index_cast %swap3A_460 : i32 to index
      %swap3A_462 = arith.index_cast %mul3A_46 : i32 to index
      %swap3A_463 = tpu.vector_load %arg6[%swap3A_461, %swap3A_462] {strides = array<i32>} : memref<16x256xf32, #tpu.memory_space<vmem>>, vector<1x16xf32>,
      %swap3A_464 = vector.shape_cast %swap3A_463 : vector<1x16xf32> to vector<16xf32>
      %swap3A_465 = vector.shape_cast %select_n3A_459 : vector<16xf32> to vector<1x16xf32>
      tpu.vector_store %arg6[%swap3A_461, %swap3A_462], %swap3A_465 {strides = array<i32>} : memref<16x256xf32, #tpu.memory_space<vmem>>, vector<1x16xf32>,
      %eq3A_466 = arith.constant 11 : i32
      %eq3A_467 = vector.broadcast %eq3A_466 : i32 to vector<16xi32>
      %eq3A_468 = arith.cmpi eq, %select_n3A_304, %eq3A_467 : vector<16xi32>
      %eq3A_469 = arith.constant 11 : i32
      %eq3A_470 = vector.broadcast %eq3A_469 : i32 to vector<16xi32>
      %eq3A_471 = arith.cmpi eq, %select_n3A_300, %eq3A_470 : vector<16xi32>
      %select_n3A_472 = arith.select %eq3A_471, %div3A_312, %broadcast_in_dim3A_37 : vector<16xi1>, vector<16xf32>
      %select_n3A_473 = arith.select %eq3A_468, %div3A_311, %select_n3A_472 : vector<16xi1>, vector<16xf32>
      %swap3A_474 = arith.constant 11 : i32
      %swap3A_475 = arith.index_cast %swap3A_474 : i32 to index
      %swap3A_476 = arith.index_cast %mul3A_46 : i32 to index
      %swap3A_477 = tpu.vector_load %arg6[%swap3A_475, %swap3A_476] {strides = array<i32>} : memref<16x256xf32, #tpu.memory_space<vmem>>, vector<1x16xf32>,
      %swap3A_478 = vector.shape_cast %swap3A_477 : vector<1x16xf32> to vector<16xf32>
      %swap3A_479 = vector.shape_cast %select_n3A_473 : vector<16xf32> to vector<1x16xf32>
      tpu.vector_store %arg6[%swap3A_475, %swap3A_476], %swap3A_479 {strides = array<i32>} : memref<16x256xf32, #tpu.memory_space<vmem>>, vector<1x16xf32>,
      %eq3A_480 = arith.constant 12 : i32
      %eq3A_481 = vector.broadcast %eq3A_480 : i32 to vector<16xi32>
      %eq3A_482 = arith.cmpi eq, %select_n3A_304, %eq3A_481 : vector<16xi32>
      %eq3A_483 = arith.constant 12 : i32
      %eq3A_484 = vector.broadcast %eq3A_483 : i32 to vector<16xi32>
      %eq3A_485 = arith.cmpi eq, %select_n3A_300, %eq3A_484 : vector<16xi32>
      %select_n3A_486 = arith.select %eq3A_485, %div3A_312, %broadcast_in_dim3A_37 : vector<16xi1>, vector<16xf32>
      %select_n3A_487 = arith.select %eq3A_482, %div3A_311, %select_n3A_486 : vector<16xi1>, vector<16xf32>
      %swap3A_488 = arith.constant 12 : i32
      %swap3A_489 = arith.index_cast %swap3A_488 : i32 to index
      %swap3A_490 = arith.index_cast %mul3A_46 : i32 to index
      %swap3A_491 = tpu.vector_load %arg6[%swap3A_489, %swap3A_490] {strides = array<i32>} : memref<16x256xf32, #tpu.memory_space<vmem>>, vector<1x16xf32>,
      %swap3A_492 = vector.shape_cast %swap3A_491 : vector<1x16xf32> to vector<16xf32>
      %swap3A_493 = vector.shape_cast %select_n3A_487 : vector<16xf32> to vector<1x16xf32>
      tpu.vector_store %arg6[%swap3A_489, %swap3A_490], %swap3A_493 {strides = array<i32>} : memref<16x256xf32, #tpu.memory_space<vmem>>, vector<1x16xf32>,
      %eq3A_494 = arith.constant 13 : i32
      %eq3A_495 = vector.broadcast %eq3A_494 : i32 to vector<16xi32>
      %eq3A_496 = arith.cmpi eq, %select_n3A_304, %eq3A_495 : vector<16xi32>
      %eq3A_497 = arith.constant 13 : i32
      %eq3A_498 = vector.broadcast %eq3A_497 : i32 to vector<16xi32>
      %eq3A_499 = arith.cmpi eq, %select_n3A_300, %eq3A_498 : vector<16xi32>
      %select_n3A_500 = arith.select %eq3A_499, %div3A_312, %broadcast_in_dim3A_37 : vector<16xi1>, vector<16xf32>
      %select_n3A_501 = arith.select %eq3A_496, %div3A_311, %select_n3A_500 : vector<16xi1>, vector<16xf32>
      %swap3A_502 = arith.constant 13 : i32
      %swap3A_503 = arith.index_cast %swap3A_502 : i32 to index
      %swap3A_504 = arith.index_cast %mul3A_46 : i32 to index
      %swap3A_505 = tpu.vector_load %arg6[%swap3A_503, %swap3A_504] {strides = array<i32>} : memref<16x256xf32, #tpu.memory_space<vmem>>, vector<1x16xf32>,
      %swap3A_506 = vector.shape_cast %swap3A_505 : vector<1x16xf32> to vector<16xf32>
      %swap3A_507 = vector.shape_cast %select_n3A_501 : vector<16xf32> to vector<1x16xf32>
      tpu.vector_store %arg6[%swap3A_503, %swap3A_504], %swap3A_507 {strides = array<i32>} : memref<16x256xf32, #tpu.memory_space<vmem>>, vector<1x16xf32>,
      %eq3A_508 = arith.constant 14 : i32
      %eq3A_509 = vector.broadcast %eq3A_508 : i32 to vector<16xi32>
      %eq3A_510 = arith.cmpi eq, %select_n3A_304, %eq3A_509 : vector<16xi32>
      %eq3A_511 = arith.constant 14 : i32
      %eq3A_512 = vector.broadcast %eq3A_511 : i32 to vector<16xi32>
      %eq3A_513 = arith.cmpi eq, %select_n3A_300, %eq3A_512 : vector<16xi32>
      %select_n3A_514 = arith.select %eq3A_513, %div3A_312, %broadcast_in_dim3A_37 : vector<16xi1>, vector<16xf32>
      %select_n3A_515 = arith.select %eq3A_510, %div3A_311, %select_n3A_514 : vector<16xi1>, vector<16xf32>
      %swap3A_516 = arith.constant 14 : i32
      %swap3A_517 = arith.index_cast %swap3A_516 : i32 to index
      %swap3A_518 = arith.index_cast %mul3A_46 : i32 to index
      %swap3A_519 = tpu.vector_load %arg6[%swap3A_517, %swap3A_518] {strides = array<i32>} : memref<16x256xf32, #tpu.memory_space<vmem>>, vector<1x16xf32>,
      %swap3A_520 = vector.shape_cast %swap3A_519 : vector<1x16xf32> to vector<16xf32>
      %swap3A_521 = vector.shape_cast %select_n3A_515 : vector<16xf32> to vector<1x16xf32>
      tpu.vector_store %arg6[%swap3A_517, %swap3A_518], %swap3A_521 {strides = array<i32>} : memref<16x256xf32, #tpu.memory_space<vmem>>, vector<1x16xf32>,
      %eq3A_522 = arith.constant 15 : i32
      %eq3A_523 = vector.broadcast %eq3A_522 : i32 to vector<16xi32>
      %eq3A_524 = arith.cmpi eq, %select_n3A_304, %eq3A_523 : vector<16xi32>
      %eq3A_525 = arith.constant 15 : i32
      %eq3A_526 = vector.broadcast %eq3A_525 : i32 to vector<16xi32>
      %eq3A_527 = arith.cmpi eq, %select_n3A_300, %eq3A_526 : vector<16xi32>
      %select_n3A_528 = arith.select %eq3A_527, %div3A_312, %broadcast_in_dim3A_37 : vector<16xi1>, vector<16xf32>
      %select_n3A_529 = arith.select %eq3A_524, %div3A_311, %select_n3A_528 : vector<16xi1>, vector<16xf32>
      %swap3A_530 = arith.constant 15 : i32
      %swap3A_531 = arith.index_cast %swap3A_530 : i32 to index
      %swap3A_532 = arith.index_cast %mul3A_46 : i32 to index
      %swap3A_533 = tpu.vector_load %arg6[%swap3A_531, %swap3A_532] {strides = array<i32>} : memref<16x256xf32, #tpu.memory_space<vmem>>, vector<1x16xf32>,
      %swap3A_534 = vector.shape_cast %swap3A_533 : vector<1x16xf32> to vector<16xf32>
      %swap3A_535 = vector.shape_cast %select_n3A_529 : vector<16xf32> to vector<1x16xf32>
      tpu.vector_store %arg6[%swap3A_531, %swap3A_532], %swap3A_535 {strides = array<i32>} : memref<16x256xf32, #tpu.memory_space<vmem>>, vector<1x16xf32>,
      %swap3A_536 = arith.constant 0 : i32
      %swap3A_537 = arith.index_cast %swap3A_536 : i32 to index
      %swap3A_538 = arith.index_cast %mul3A_46 : i32 to index
      %swap3A_539 = tpu.vector_load %arg7[%swap3A_537, %swap3A_538] {strides = array<i32>} : memref<2x256xi32, #tpu.memory_space<vmem>>, vector<1x16xi32>,
      %swap3A_540 = vector.shape_cast %swap3A_539 : vector<1x16xi32> to vector<16xi32>
      %swap3A_541 = vector.shape_cast %select_n3A_304 : vector<16xi32> to vector<1x16xi32>
      tpu.vector_store %arg7[%swap3A_537, %swap3A_538], %swap3A_541 {strides = array<i32>} : memref<2x256xi32, #tpu.memory_space<vmem>>, vector<1x16xi32>,
      %swap3A_542 = arith.constant 1 : i32
      %swap3A_543 = arith.index_cast %swap3A_542 : i32 to index
      %swap3A_544 = arith.index_cast %mul3A_46 : i32 to index
      %swap3A_545 = tpu.vector_load %arg7[%swap3A_543, %swap3A_544] {strides = array<i32>} : memref<2x256xi32, #tpu.memory_space<vmem>>, vector<1x16xi32>,
      %swap3A_546 = vector.shape_cast %swap3A_545 : vector<1x16xi32> to vector<16xi32>
      %swap3A_547 = vector.shape_cast %select_n3A_300 : vector<16xi32> to vector<1x16xi32>
      tpu.vector_store %arg7[%swap3A_543, %swap3A_544], %swap3A_547 {strides = array<i32>} : memref<2x256xi32, #tpu.memory_space<vmem>>, vector<1x16xi32>,
    }
    %scan3A_43 = arith.constant 16 : i32
    "tpu.region"() ({
      %run_scoped3A = tpu.sem_alloc : memref<!tpu.dma_semaphore, #tpu.memory_space<semaphore_mem>>
      %dma_start3A = arith.constant 0 : i32
      %dma_start3A_44 = tpu.memref_slice %arg3[%select_n3A, %dma_start3A, %mul3A_34] : memref<2x16x4096xf32, #tpu.memory_space<hbm>> -> memref<1x16x256xf32, #tpu.memory_space<hbm>>
      %dma_start3A_45 = tpu.memref_squeeze %dma_start3A_44 : memref<1x16x256xf32, #tpu.memory_space<hbm>> -> memref<16x256xf32, #tpu.memory_space<hbm>>
      %dma_start3A_46 = arith.constant 0 : i32
      %dma_start3A_47 = tpu.memref_slice %arg3[%select_n3A, %dma_start3A_46, %mul3A_34] : memref<2x16x4096xf32, #tpu.memory_space<hbm>> -> memref<1x16x256xf32, #tpu.memory_space<hbm>>
      %dma_start3A_48 = tpu.memref_squeeze %dma_start3A_47 : memref<1x16x256xf32, #tpu.memory_space<hbm>> -> memref<16x256xf32, #tpu.memory_space<hbm>>
      tpu.enqueue_dma source(%arg6 : memref<16x256xf32, #tpu.memory_space<vmem>>) target(%dma_start3A_48 : memref<16x256xf32, #tpu.memory_space<hbm>>) target_semaphore(%run_scoped3A : memref<!tpu.dma_semaphore, #tpu.memory_space<semaphore_mem>>)
      %dma_wait3A = arith.constant 0 : i32
      %dma_wait3A_49 = tpu.memref_slice %arg3[%select_n3A, %dma_wait3A, %mul3A_34] : memref<2x16x4096xf32, #tpu.memory_space<hbm>> -> memref<1x16x256xf32, #tpu.memory_space<hbm>>
      %dma_wait3A_50 = tpu.memref_squeeze %dma_wait3A_49 : memref<1x16x256xf32, #tpu.memory_space<hbm>> -> memref<16x256xf32, #tpu.memory_space<hbm>>
      %dma_wait3A_51 = arith.constant 0 : i32
      %dma_wait3A_52 = tpu.memref_slice %arg3[%select_n3A, %dma_wait3A_51, %mul3A_34] : memref<2x16x4096xf32, #tpu.memory_space<hbm>> -> memref<1x16x256xf32, #tpu.memory_space<hbm>>
      %dma_wait3A_53 = tpu.memref_squeeze %dma_wait3A_52 : memref<1x16x256xf32, #tpu.memory_space<hbm>> -> memref<16x256xf32, #tpu.memory_space<hbm>>
      tpu.wait_dma2 semaphore(%run_scoped3A : memref<!tpu.dma_semaphore, #tpu.memory_space<semaphore_mem>>) src(%arg6 : memref<16x256xf32, #tpu.memory_space<vmem>>) dst(%dma_wait3A_53 : memref<16x256xf32, #tpu.memory_space<hbm>>)
      tpu.yield
    }) : () -> ()
    "tpu.region"() ({
      %run_scoped3A = tpu.sem_alloc : memref<!tpu.dma_semaphore, #tpu.memory_space<semaphore_mem>>
      %dma_start3A = arith.constant 0 : i32
      %dma_start3A_44 = tpu.memref_slice %arg4[%select_n3A, %dma_start3A, %mul3A_34] : memref<2x2x4096xi32, #tpu.memory_space<hbm>> -> memref<1x2x256xi32, #tpu.memory_space<hbm>>
      %dma_start3A_45 = tpu.memref_squeeze %dma_start3A_44 : memref<1x2x256xi32, #tpu.memory_space<hbm>> -> memref<2x256xi32, #tpu.memory_space<hbm>>
      %dma_start3A_46 = arith.constant 0 : i32
      %dma_start3A_47 = tpu.memref_slice %arg4[%select_n3A, %dma_start3A_46, %mul3A_34] : memref<2x2x4096xi32, #tpu.memory_space<hbm>> -> memref<1x2x256xi32, #tpu.memory_space<hbm>>
      %dma_start3A_48 = tpu.memref_squeeze %dma_start3A_47 : memref<1x2x256xi32, #tpu.memory_space<hbm>> -> memref<2x256xi32, #tpu.memory_space<hbm>>
      tpu.enqueue_dma source(%arg7 : memref<2x256xi32, #tpu.memory_space<vmem>>) target(%dma_start3A_48 : memref<2x256xi32, #tpu.memory_space<hbm>>) target_semaphore(%run_scoped3A : memref<!tpu.dma_semaphore, #tpu.memory_space<semaphore_mem>>)
      %dma_wait3A = arith.constant 0 : i32
      %dma_wait3A_49 = tpu.memref_slice %arg4[%select_n3A, %dma_wait3A, %mul3A_34] : memref<2x2x4096xi32, #tpu.memory_space<hbm>> -> memref<1x2x256xi32, #tpu.memory_space<hbm>>
      %dma_wait3A_50 = tpu.memref_squeeze %dma_wait3A_49 : memref<1x2x256xi32, #tpu.memory_space<hbm>> -> memref<2x256xi32, #tpu.memory_space<hbm>>
      %dma_wait3A_51 = arith.constant 0 : i32
      %dma_wait3A_52 = tpu.memref_slice %arg4[%select_n3A, %dma_wait3A_51, %mul3A_34] : memref<2x2x4096xi32, #tpu.memory_space<hbm>> -> memref<1x2x256xi32, #tpu.memory_space<hbm>>
      %dma_wait3A_53 = tpu.memref_squeeze %dma_wait3A_52 : memref<1x2x256xi32, #tpu.memory_space<hbm>> -> memref<2x256xi32, #tpu.memory_space<hbm>>
      tpu.wait_dma2 semaphore(%run_scoped3A : memref<!tpu.dma_semaphore, #tpu.memory_space<semaphore_mem>>) src(%arg7 : memref<2x256xi32, #tpu.memory_space<vmem>>) dst(%dma_wait3A_53 : memref<2x256xi32, #tpu.memory_space<hbm>>)
      tpu.yield
    }) : () -> ()
    return
  }
}

module attributes {stable_mosaic.version = 14 : i64} {
  func.func @_matmul_body(%arg0: i32, %arg1: memref<512x2048xf32, #tpu.memory_space<vmem>>, %arg2: memref<16x2048xf32, #tpu.memory_space<vmem>>, %arg3: memref<1x16xf32, #tpu.memory_space<vmem>>, %arg4: memref<16x512xf32, #tpu.memory_space<vmem>>) attributes {dimension_semantics = [#tpu.dimension_semantics<arbitrary>], iteration_bounds = array<i64: 16>, scalar_prefetch = 0 : i64, scratch_operands = 0 : i64, tpu.core_type = #tpu.core_type<tc>, window_params = [{transform_indices = @transform_0, window_bounds = array<i64: 512, 2048>}, {pipeline_mode = #tpu.pipeline_mode<synchronous>, transform_indices = @transform_1, window_bounds = array<i64: 16, 2048>}, {pipeline_mode = #tpu.pipeline_mode<synchronous>, transform_indices = @transform_2, window_bounds = array<i64: 1, 16>}, {transform_indices = @transform_3, window_bounds = array<i64: 16, 512>}]} {
    %get3A = arith.constant 0 : index
    %get3A_0 = arith.constant 0 : index
    %get3A_1 = vector.load %arg2[%get3A, %get3A_0] : memref<16x2048xf32, #tpu.memory_space<vmem>>, vector<16x2048xf32>
    %get3A_2 = arith.constant 0 : index
    %get3A_3 = arith.constant 0 : index
    %get3A_4 = vector.load %arg1[%get3A_2, %get3A_3] : memref<512x2048xf32, #tpu.memory_space<vmem>>, vector<512x2048xf32>
    %dot_general3A = arith.constant dense<0.000000e+00> : vector<16x512xf32>
    %dot_general3A_5 = tpu.matmul %get3A_1, %get3A_4, %dot_general3A {dimension_numbers = #tpu.dot_dimension_numbers<[1], [1], [0], [0], [0, 0, 1, 0], [], []>, transpose_lhs_hint = false} : vector<16x2048xf32>, vector<512x2048xf32>, vector<16x512xf32> -> vector<16x512xf32>
    %get3A_6 = arith.constant 0 : index
    %get3A_7 = arith.constant 0 : index
    %get3A_8 = vector.load %arg3[%get3A_6, %get3A_7] : memref<1x16xf32, #tpu.memory_space<vmem>>, vector<1x16xf32>
    %transpose3A = tpu.transpose %get3A_8, [1, 0] : vector<1x16xf32> -> vector<16x1xf32>
    %add3A = vector.broadcast %transpose3A : vector<16x1xf32> to vector<16x512xf32>
    %add3A_9 = arith.addf %dot_general3A_5, %add3A : vector<16x512xf32>
    %swap3A = arith.constant 0 : index
    %swap3A_10 = arith.constant 0 : index
    %swap3A_11 = vector.load %arg4[%swap3A, %swap3A_10] : memref<16x512xf32, #tpu.memory_space<vmem>>, vector<16x512xf32>
    tpu.vector_store %arg4[%swap3A, %swap3A_10], %add3A_9 {strides = array<i32>} : memref<16x512xf32, #tpu.memory_space<vmem>>, vector<16x512xf32>,
    return
  }
  func.func @transform_0(%arg0: i32) -> (i32, i32) {
    %c0_i32 = arith.constant 0 : i32
    %c0_i32_0 = arith.constant 0 : i32
    return %arg0, %c0_i32 : i32, i32
  }
  func.func @transform_1(%arg0: i32) -> (i32, i32) {
    %c0_i32 = arith.constant 0 : i32
    %c0_i32_0 = arith.constant 0 : i32
    %c0_i32_1 = arith.constant 0 : i32
    return %c0_i32, %c0_i32_0 : i32, i32
  }
  func.func @transform_2(%arg0: i32) -> (i32, i32) {
    %c0_i32 = arith.constant 0 : i32
    %c0_i32_0 = arith.constant 0 : i32
    %c0_i32_1 = arith.constant 0 : i32
    return %c0_i32, %c0_i32_0 : i32, i32
  }
  func.func @transform_3(%arg0: i32) -> (i32, i32) {
    %c0_i32 = arith.constant 0 : i32
    %c0_i32_0 = arith.constant 0 : i32
    return %c0_i32, %arg0 : i32, i32
  }
}

</mosaic_0001>

<sc_bundles>
// kernel: kernel.4.cloned.1.call-start
scs
__scs_entry_jumppad:
0x0: {  	(pc) =	sbr.rel $0x88, $3  }
0x1: {  	(tag) =	ssettag $0x0;
	lr =	simm.s32 $0x1  }
0x2: {  	[smem:$0x3F9E] =	sst lr;
	_ =	strace $0xD0000000  }
0x3: {  	_ = 	snop  }
0x4: {  	_ = 	snop  }
0x5: {  	_ = 	snop  }
0x6: {  	_ = 	snop  }
0x7: {  	_ = 	snop  }
__scs_overlays_trampoline_lowered:
0x8: {  	[smem:$0x3FAD] =	sst s0  }
0x9: {  	[smem:$0x3FAE] =	sst s1  }
0xa: {  	[smem:$0x3FAF] =	sst s2  }
0xb: {  	[smem:$0x3FB0] =	sst s3  }
0xc: {  	[smem:$0x3FB1] =	sst s4  }
0xd: {  	[smem:$0x3FB2] =	sst s5  }
0xe: {  	[smem:$0x3FB3] =	sst s6  }
0xf: {  	[smem:$0x3FB4] =	sst s7  }
0x10: {  	[smem:$0x3FB5] =	sst s8  }
0x11: {  	[smem:$0x3FB6] =	sst s9;
	s0 =	simm.s32 @!p0 $0x0  }
0x12: {  	s1 =	sld [smem:$0x3F9C];
	s0 =	simm.s32 @p0 $0x1  }
0x13: {  	[smem:$0x3FB7] =	sst s0;
	s0 =	simm.s32 @!p1 $0x0  }
0x14: {  	s2 =	sld [smem:$0x3F9B];
	s0 =	simm.s32 @p1 $0x1  }
0x15: {  	[smem:$0x3FB8] =	sst s0;
	s0 =	simm.s32 @!p2 $0x0  }
0x16: {  	s3 =	sld [smem:$0x3FDB];
	s0 =	simm.s32 @p2 $0x1  }
0x17: {  	s4 =	simm.s32 $0x1BF5;
	[smem:$0x3FBA] =	sst s0  }
0x18: {  	s0 =	sld [smem:$0x3F9D];
	_ =	swait.ge [sflag:s4], $0x0  }
0x19: {  	s7 =	sld [smem:$0x3F9E]  }
0x1a: {  	s8 =	sadd.s32 $0xFFFFE003, lr  }
0x1b: {  	s9 =	sadd.s32 $0xFFFFFEF7, lr;
	s5 =	simm.s32 $0xFFFFFFFF;
	p2 =	slt.u32 s8, $0xFFFFF086  }
0x1c: {  	p1 =	slt.u32 s9, $0xF7A;
	s5 =	simm.s32 @!p2 $0x0  }
0x1d: {  	s5 =	simm.s32 @p1 $0x1;
	p0 =	seq.s32 s7, s2  }
0x1e: {  	s7 =	smul.u32 @!p0 $0xF7A, s2;
	p2 =	seq.s32 @!p0 s5, $0x0  }
0x1f: {  	s9 =	smul.u32 $0xF7A, s1;
	s8 =	simm.s32 @!p0 $0x1BF5;
	p2 =	por !p2, p0  }
0x20: {  	[sflag:s8] =	ssyncset.s32 @!p0 $0xFFFFF086;
	s6 =	sadd.s32 @!p0 s3, s7;
	s7 =	simm.s32 @!p0 $0x108  }
0x21: {  	s3 =	sadd.s32 s3, s9;
	s6 =	sadd.s32 @!p0 $0x88, s6;
	s7 =	simm.s32 @p2 $0x1082  }
0x22: {  	[simem:s7], [sflag:s8] =	dma.local @!p0 [hbm:s6], $0xF7A  }
0x23: {  	s9 =	sor.u32 $0xD0000000, s2;
	s6 =	simm.s32 $0x108;
	_ =	swait.ge @!p0 [sflag:s8], $0x0  }
0x24: {  	s3 =	sadd.s32 $0x88, s3;
	s6 =	simm.s32 @!p1 $0x1082;
	[sflag:s4] =	ssyncset.s32 $0xFFFFF086  }
0x25: {  	[simem:s6], [sflag:s4] =	dma.local [hbm:s3], $0xF7A  }
0x26: {  	[smem:$0x3F9E] =	sst s1;
	(tag) =	ssettag s2;
	_ =	strace s9  }
0x27: {  	s1 =	sld [smem:$0x3FAE]  }
0x28: {  	s2 =	sld [smem:$0x3FAF]  }
0x29: {  	s4 =	sld [smem:$0x3FB1]  }
0x2a: {  	p0 =	seq.s32 s5, $0x0;
	s5 =	sld [smem:$0x3FB2]  }
0x2b: {  	s6 =	sld [smem:$0x3FB3]  }
0x2c: {  	s7 =	sld [smem:$0x3FB4]  }
0x2d: {  	s3 =	simm.s32 $0x108;
	s8 =	sld [smem:$0x3FB5]  }
0x2e: {  	s3 =	simm.s32 @!p0 $0x1082;
	s9 =	sld [smem:$0x3FB6]  }
0x2f: {  	lr =	sadd.s32 s0, s3;
	s0 =	sld [smem:$0x3FAD]  }
0x30: {  	s3 =	sld [smem:$0x3FB0]  }
0x31: {  	[smem:$0x3FB9] =	sst s10  }
0x32: {  	s10 =	sld [smem:$0x3FB7];
	_ =	sdelay $0x3  }
0x33: {  	p0 =	seq.s32 s10, $0x1;
	s10 =	sld [smem:$0x3FB9];
	_ =	sdelay $0x3  }
0x34: {  	[smem:$0x3FB9] =	sst s10  }
0x35: {  	s10 =	sld [smem:$0x3FB8];
	_ =	sdelay $0x3  }
0x36: {  	p1 =	seq.s32 s10, $0x1;
	s10 =	sld [smem:$0x3FB9];
	_ =	sdelay $0x3  }
0x37: {  	[smem:$0x3FB9] =	sst s10  }
0x38: {  	s10 =	sld [smem:$0x3FBA]  }
0x39: {  	_ = 	snop;
	(pc) =	sbr.ind lr, $3  }
0x3a: {  	_ = 	snop  }
0x3b: {  	_ = 	snop  }
0x3c: {  	p2 =	seq.s32 s10, $0x1;
	s10 =	sld [smem:$0x3FB9]  }
0x3d: {  	_ =	shalt  }
0x3e: {  	_ =	shalt  }
0x3f: {  	_ =	shalt  }
0x40: {  	_ =	shalt  }
0x41: {  	_ =	shalt  }
0x42: {  	_ =	shalt  }
0x43: {  	_ =	shalt  }
0x44: {  	_ =	shalt  }
0x45: {  	_ =	shalt  }
0x46: {  	_ =	shalt  }
0x47: {  	_ =	shalt  }
0x48: {  	_ =	shalt  }
0x49: {  	_ =	shalt  }
0x4a: {  	_ =	shalt  }
0x4b: {  	_ =	shalt  }
0x4c: {  	_ =	shalt  }
0x4d: {  	_ =	shalt  }
0x4e: {  	_ =	shalt  }
0x4f: {  	_ =	shalt  }
0x50: {  	_ =	shalt  }
0x51: {  	_ =	shalt  }
0x52: {  	_ =	shalt  }
0x53: {  	_ =	shalt  }
0x54: {  	_ =	shalt  }
0x55: {  	_ =	shalt  }
0x56: {  	_ =	shalt  }
0x57: {  	_ =	shalt  }
0x58: {  	_ =	shalt  }
0x59: {  	_ =	shalt  }
0x5a: {  	_ =	shalt  }
0x5b: {  	_ =	shalt  }
0x5c: {  	_ =	shalt  }
0x5d: {  	_ =	shalt  }
0x5e: {  	_ =	shalt  }
0x5f: {  	_ =	shalt  }
0x60: {  	_ =	shalt  }
0x61: {  	_ =	shalt  }
0x62: {  	_ =	shalt  }
0x63: {  	_ =	shalt  }
0x64: {  	_ =	shalt  }
0x65: {  	_ =	shalt  }
0x66: {  	_ =	shalt  }
0x67: {  	_ =	shalt  }
0x68: {  	_ =	shalt  }
0x69: {  	_ =	shalt  }
0x6a: {  	_ =	shalt  }
0x6b: {  	_ =	shalt  }
0x6c: {  	_ =	shalt  }
0x6d: {  	_ =	shalt  }
0x6e: {  	_ =	shalt  }
0x6f: {  	_ =	shalt  }
0x70: {  	_ =	shalt  }
0x71: {  	_ =	shalt  }
0x72: {  	_ =	shalt  }
0x73: {  	_ =	shalt  }
0x74: {  	_ =	shalt  }
0x75: {  	_ =	shalt  }
0x76: {  	_ =	shalt  }
0x77: {  	_ =	shalt  }
0x78: {  	_ =	shalt  }
0x79: {  	_ =	shalt  }
0x7a: {  	_ =	shalt  }
0x7b: {  	_ =	shalt  }
0x7c: {  	_ =	shalt  }
0x7d: {  	_ =	shalt  }
0x7e: {  	_ =	shalt  }
0x7f: {  	_ =	shalt  }
0x80: {  	_ =	shalt  }
0x81: {  	_ =	shalt  }
0x82: {  	_ =	shalt  }
0x83: {  	_ =	shalt  }
0x84: {  	_ =	shalt  }
0x85: {  	_ =	shalt  }
0x86: {  	_ =	shalt  }
0x87: {  	_ =	shalt  }
.Lfunc_end0:
.L_simem_size_0:
called_computation_lowered:
.L_overlay_start_0:
0x88: {  	s2 =	sld [smem:$0x3FD9]  }
0x89: {  	s3 =	sld [smem:$0x3FFE];
	_ =	sdelay $0x1  }
0x8a: {  	s1 =	srdreg.scid  }
0x8b: {  	s0 =	sand.u32 $0x1, s1  }
0x8c: {  	s14 =	sshll.u32 s0, $0xA;
	s2 =	sadd.s32 s3, s2  }
0x8d: {  	s2 =	sadd.s32 s2, s14  }
0x8e: {  	[smem:$0x3FC5] =	sst s2  }
0x8f: {  	_ = 	snop  }
0x90: {  	s2 =	sld [smem:$0x3FD0];
	_ =	sdelay $0x2  }
0x91: {  	s15 =	simm.s32 $0xA;
	s4 =	simm.s32 $0x10  }
0x92: {  	[smem:s4], [sflag:s15] =	dma.local [hbm:s2], $0x1  }
0x93: {  	_ =	swait.eq [sflag:s15], $0x1  }
0x94: {  	[sflag:s15] =	ssyncset.done $0x0  }
0x95: {  	s16 =	sld [smem:$0x10];
	[sflag:s15] =	ssyncadd.s32 $0xFFFFFFFF  }
0x96: {  	s17 =	sld [smem:$0x11];
	(tm) =	ssettm $0x1  }
0x97: {  	s18 =	sld [smem:$0x3FFB];
	_ =	sdelay $0x3  }
0x98: {  	_ =	strace s18  }
0x99: {  	s4 =	sld [smem:$0x3FFC];
	_ =	sdelay $0x3  }
0x9a: {  	_ =	strace s4  }
0x9b: {  	s4 =	sld [smem:$0x3FFD];
	_ =	sdelay $0x3  }
0x9c: {  	_ =	strace s4  }
0x9d: {  	_ =	strace $0x8FFFFFFF  }
0x9e: {  	s19 =	sld [smem:$0x3FDB];
	_ =	sdelay $0x1  }
0x9f: {  	s5 =	simm.s32 $_scs_section_size  }
0xa0: {  	s6 =	simm.s32 $_size__tile_overlayer_lowered;
	s7 =	simm.s32 $_tile_overlayer_lowered  }
0xa1: {  	s22 =	simm.s32 $0x1BFF;
	s21 =	sshll.u32 s7, $0x1;
	s4 =	sadd.s32 s5, s19  }
0xa2: {  	s8 =	simm.s32 $0x0;
	s20 =	sshll.u32 s6, $0x1;
	s6 =	sadd.s32 s21, s4  }
0xa3: {  	[timem:s8], [sflag:s22] =	dma.local [hbm:s6], s20  }
0xa4: {  	_ =	swait.ge [sflag:s22], s20  }
0xa5: {  	s5 =	ssub.s32 $0x0, s20;
	[sflag:s22] =	ssyncset.done $0x0  }
0xa6: {  	[sflag:s22] =	ssyncadd.s32 s5;
	_ =	sdelay $0x1  }
0xa7: {  	s23 =	simm.s32 $0x1B8B  }
0xa8: {  	_ =	swait.ge [sflag:s23], $0x1  }
0xa9: {  	[sflag:s23] =	ssyncset.done $0x0  }
0xaa: {  	s25 =	simm.s32 $0x1B8E;
	s24 =	sld [smem:$0x3FFE];
	[sflag:s23] =	ssyncadd.s32 $0xFFFFFFFF  }
0xab: {  	s26 =	simm.s32 $execute0_lowered;
	[smem:$0x3FD2] =	sst s25  }
0xac: {  	s6 =	sshll.u32 s26, $0x1;
	_ =	strace $0x80000046;
	[dreg:$0x1] =	wrdreg $0xFFFFFFFF  }
0xad: {  	s28 =	simm.s32 $_size_execute0_lowered;
	s4 =	sadd.s32 s4, s6;
	[dreg:$0x0] =	wrdreg $0x0  }
0xae: {  	s6 =	sshll.u32 s28, $0x1;
	[dreg:$0x2] =	wrdreg s4  }
0xaf: {  	[dreg:$0x3] =	wrdreg s6  }
0xb0: {  	[dreg:$0x4] =	wrdreg $0xC0  }
0xb1: {  	_ =	task [dreg:s8], $0x5FFFF  }
0xb2: {  	[dreg:$0x1] =	wrdreg $0xFFFFFFFF  }
0xb3: {  	[dreg:$0x0] =	wrdreg $0x60  }
0xb4: {  	[dreg:$0x2] =	wrdreg s24  }
0xb5: {  	[dreg:$0x3] =	wrdreg s16  }
0xb6: {  	[dreg:$0x4] =	wrdreg s17  }
0xb7: {  	[dreg:$0x5] =	wrdreg $0x9  }
0xb8: {  	_ =	task.clear_ibuf [dreg:s8], $0x6FFFF;
	_ =	strace $0x90000046  }
0xb9: {  	s29 =	simm.s32 $0x9;
	_ =	strace $0x80000048  }
0xba: {  	_ =	swait.ge [sflag:s29], $0x1  }
0xbb: {  	[sflag:s29] =	ssyncadd.s32 $0xFFFFFFFF  }
0xbc: {  	_ =	strace $0x90000048  }
0xbd: {  	_ =	sfence  }
0xbe: {  	s30 =	sld [smem:$0x0];
	_ =	sdelay $0x2  }
0xbf: {  	s31 =	sshll.u32 s1, $0xD;
	s1 =	sshrl.u32 s1, $0x2  }
0xc0: {  	s3 =	sand.u32 $0x4000, s31;
	s1 =	sadd.s32 s1, s30  }
0xc1: {  	s0 =	sor.u32 s3, s0;
	s1 =	sshll.u32 s1, $0x11  }
0xc2: {  	s0 =	sor.u32 s1, s0  }
0xc3: {  	s0 =	sadd.s32 $0x8F2B, s0  }
0xc4: {  	[sflag:s0] =	ssyncadd.remote.s32 $0x1  }
0xc5: {  	_ =	sfence.sel $0xFFFF  }
0xc6: {  	[dreg:$0x0] =	wrdreg $0xFFFFFFFF;
	(pc) =	sbr.abs _section_cstart, $3  }
0xc7: {  	[dreg:$0x1] =	wrdreg $0xFFFFFFFF  }
0xc8: {  	_ =	task.clear_ibuf [dreg:s8], $0x2FFFF;
	_ =	strace $0x9FFFFFFF  }
0xc9: {  	(tm) =	ssettm $0x7FFFFFFF  }
tec
execute0_lowered:
.L_overlay_start_1:
0x0: {  	(tag) =	ssettag $0x1  }
0x1: {  	s3 =	rddreg [dreg:$0x0]  }
0x2: {  	s4 =	rddreg [dreg:$0x1]  }
0x3: {  	s5 =	rddreg [dreg:$0x2]  }
0x4: {  	s0 =	rddreg [dreg:$0x3]  }
0x5: {  	s6 =	srdreg.scid;
	s1 =	stileid.u32  }
0x6: {  	s2 =	simm.s32 $0x0;
	s11 =	simm.s32 $0x1000;
	s12 =	simm.s32 $0x2000  }
0x7: {  	s13 =	simm.s32 $0x0;
	s6 =	sand.u32 $0x1, s6;
	s7 =	sshll.u32 s1, $0x1  }
0x8: {  	[smem:$0x7FF] =	sst s2;
	s30 =	sshrl.u32 s1, $0x3;
	s7 =	sor.u32 s6, s7  }
0x9: {  	s6 =	ssub.s32 $0x2, s6;
	_ =	strace $0x80000047;
	s31 =	sshll.u32 s30, $0xD  }
0xa: {  	s8 =	sshll.u32 s7, $0x8;
	s9 =	sshrl.u32 s6, $0x1;
	s7 =	sand.u32 $0xF, s7  }
0xb: {  	s4 =	sadd.s32 s4, s31;
	s3 =	sadd.s32 s8, s3;
	s6 =	ssub.s32 s6, s9  }
0xc: {  	s10 =	sshll.u32 s7, $0x8;
	s8 =	sshll.u32 s30, $0xA;
	s7 =	sshll.u32 s7, $0x6  }
0xd: {  	s9 =	simm.s32 $0x1;
	s3 =	sadd.s32 $0xE00, s3;
	s4 =	sadd.s32 s10, s4  }
0xe: {  	s5 =	sadd.s32 s5, s8;
	s6 =	smax.u32 s6, $0x1;
	s8 =	simm.s32 $0x10000  }
0xf: {  	v0 =	vimm.s32 $0x0;
	s10 =	simm.s32 $0x8000;
	s5 =	sadd.s32 s7, s5;
	s7 =	simm.s32 $0x800  }
.LBB2_1:
0x10: {  	[tilespmem:s2], [sflag:$0x1] =	stream.strided.gather [hbm4b:s3+s7], $0x1000, s8, s7, $0x38;
	[tilespmem:$0x2200] =	vst v63  }
0x11: {  	s14 =	sand.u32 $0xFFFFFC00, s2;
	_ =	swait.ge [sflag:s9], $0x1000  }
0x12: {  	s16 =	sand.u32 $0x70, s2;
	s24 =	sadd.s32 $0x0, s14;
	[sflag:s9] =	ssyncset.done $0x0  }
0x13: {  	s17 =	sand.u32 $0x7FFFFC00, s2;
	s14 =	sor.u32 $0x80, s24;
	[sflag:s9] =	ssyncadd.s32 $0xFFFFF000  }
0x14: {  	s18 =	sor.u32 s16, s17;
	v1 =	vld [tilespmem:s14+$0x0]  }
0x15: {  	v2 =	vld [tilespmem:s18+$0x0];
	_ =	sdelay $0x2  }
0x16: {  	v3 =	vld [tilespmem:s18+$0x100]  }
0x17: {  	vm0 =	vlt.f32 v1, $-Inf;
	vm1 =	vgt.f32 v1, $-Inf  }
0x18: {  	vm13 =	vgt.f32 v1, v2;
	vm0 =	vmor vm1, vm0  }
0x19: {  	s15 =	sor.u32 $0x180, s24;
	vm15 =	vmneg vm13;
	v4 =	vnsel vm0, $0xFF800000, v1  }
0x1a: {  	v5 =	vld [tilespmem:s15+$0x0];
	v4 =	vsel vm15, v4, v2  }
0x1b: {  	v1 =	vsel vm15, v2, v1;
	v2 =	vimm.s32 $0x0;
	vm7 =	vgt.f32 v3, v4  }
0x1c: {  	v2 =	vsel vm7, $0xFFFFFFFF, v2  }
0x1d: {  	vm11 =	vgt.f32 v3, v1;
	[tilespmem:$0x1FF30] =	vst v2;
	v2 =	vsel vm7, v3, v4  }
0x1e: {  	v23 =	vld [tilespmem:s18+$0x200];
	v2 =	vsel vm11, v1, v2  }
0x1f: {  	v1 =	vsel vm11, v3, v1;
	v3 =	vimm.s32 $0x0;
	vm12 =	vgt.f32 v5, v2  }
0x20: {  	s19 =	sor.u32 $0x280, s24;
	v3 =	vsel vm12, $0xFFFFFFFF, v3  }
0x21: {  	vm9 =	vgt.f32 v5, v1;
	v2 =	vsel vm12, v5, v2;
	[tilespmem:$0x1FF40] =	vst v3;
	v3 =	vld [tilespmem:s19+$0x0]  }
0x22: {  	v2 =	vsel vm9, v1, v2  }
0x23: {  	v1 =	vsel vm9, v5, v1;
	vm14 =	vgt.f32 v23, v2  }
0x24: {  	v25 =	vld [tilespmem:s18+$0x300];
	vm8 =	vgt.f32 v23, v1;
	v2 =	vsel vm14, v23, v2  }
0x25: {  	v2 =	vsel vm8, v1, v2  }
0x26: {  	v1 =	vsel vm8, v23, v1;
	vm4 =	vgt.f32 v3, v2  }
0x27: {  	s20 =	sor.u32 $0x380, s24;
	vm10 =	vgt.f32 v3, v1;
	v2 =	vsel vm4, v3, v2  }
0x28: {  	v27 =	vld [tilespmem:s20+$0x0];
	v2 =	vsel vm10, v1, v2  }
0x29: {  	v1 =	vsel vm10, v3, v1;
	v3 =	vimm.s32 $0x0;
	vm5 =	vgt.f32 v25, v2  }
0x2a: {  	s21 =	sor.u32 $0x800, s18;
	v3 =	vsel vm5, $0xFFFFFFFF, v3  }
0x2b: {  	vm12 =	vgt.f32 v25, v1;
	v2 =	vsel vm5, v25, v2;
	[tilespmem:$0x1FF70] =	vst v3;
	v3 =	vld [tilespmem:s21+$0x0]  }
0x2c: {  	v2 =	vsel vm12, v1, v2  }
0x2d: {  	v24 =	vimm.s32 $0x0;
	s29 =	sor.u32 $0x880, s24;
	v1 =	vsel vm12, v25, v1;
	vm6 =	vgt.f32 v27, v2  }
0x2e: {  	v29 =	vld [tilespmem:s29+$0x0];
	v5 =	vsel vm14, $0xFFFFFFFF, v24;
	vm14 =	vgt.f32 v27, v1;
	v2 =	vsel vm6, v27, v2  }
0x2f: {  	v26 =	vimm.s32 $0x0;
	v30 =	vimm.s32 $0x0;
	v2 =	vsel vm14, v1, v2  }
0x30: {  	v4 =	vsel vm4, $0xFFFFFFFF, v26;
	v1 =	vsel vm14, v27, v1;
	vm7 =	vgt.f32 v3, v2  }
0x31: {  	s22 =	sor.u32 $0x900, s18;
	[tilespmem:$0x1FF60] =	vst v4;
	v4 =	vsel vm7, $0xFFFFFFFF, v30;
	v2 =	vsel vm7, v3, v2;
	vm7 =	vgt.f32 v3, v1  }
0x32: {  	v31 =	vld [tilespmem:s22+$0x0];
	v2 =	vsel vm7, v1, v2  }
0x33: {  	v1 =	vsel vm7, v3, v1;
	v3 =	vimm.s32 $0x0;
	vm4 =	vgt.f32 v29, v2  }
0x34: {  	v28 =	vimm.s32 $0x0;
	s30 =	sor.u32 $0x980, s24;
	[tilespmem:$0x1FF50] =	vst v5;
	v3 =	vsel vm4, $0xFFFFFFFF, v3  }
0x35: {  	v5 =	vsel vm6, $0xFFFFFFFF, v28;
	vm6 =	vgt.f32 v29, v1;
	v2 =	vsel vm4, v29, v2;
	[tilespmem:$0x1FFA0] =	vst v3;
	v3 =	vld [tilespmem:s30+$0x0]  }
0x36: {  	v2 =	vsel vm6, v1, v2  }
0x37: {  	v32 =	vimm.s32 $0x0;
	s23 =	sor.u32 $0xA00, s18;
	v1 =	vsel vm6, v29, v1;
	vm5 =	vgt.f32 v31, v2  }
0x38: {  	v33 =	vld [tilespmem:s23+$0x0];
	[tilespmem:$0x1FF80] =	vst v5;
	v5 =	vsel vm5, $0xFFFFFFFF, v32;
	v2 =	vsel vm5, v31, v2;
	vm5 =	vgt.f32 v31, v1  }
0x39: {  	v2 =	vsel vm5, v1, v2  }
0x3a: {  	v34 =	vimm.s32 $0x0;
	v1 =	vsel vm5, v31, v1;
	vm4 =	vgt.f32 v3, v2  }
0x3b: {  	s31 =	sor.u32 $0xA80, s24;
	[tilespmem:$0x1FF90] =	vst v4;
	v4 =	vsel vm4, $0xFFFFFFFF, v34;
	v2 =	vsel vm4, v3, v2;
	vm4 =	vgt.f32 v3, v1  }
0x3c: {  	v35 =	vld [tilespmem:s31+$0x0];
	v2 =	vsel vm4, v1, v2  }
0x3d: {  	v1 =	vsel vm4, v3, v1;
	v3 =	vimm.s32 $0x0;
	vm1 =	vgt.f32 v33, v2  }
0x3e: {  	s25 =	sor.u32 $0xB00, s18;
	v3 =	vsel vm1, $0xFFFFFFFF, v3  }
0x3f: {  	vm3 =	vgt.f32 v33, v1;
	v2 =	vsel vm1, v33, v2;
	[tilespmem:$0x1FFD0] =	vst v3;
	v3 =	vld [tilespmem:s25+$0x0]  }
0x40: {  	s24 =	sor.u32 $0xB80, s24;
	v2 =	vsel vm3, v1, v2  }
0x41: {  	v37 =	vld [tilespmem:s24+$0x0];
	v1 =	vsel vm3, v33, v1;
	vm1 =	vgt.f32 v35, v2  }
0x42: {  	v6 =	vld [tilespmem:$0x1FF30];
	vm2 =	vgt.f32 v35, v1;
	v2 =	vsel vm1, v35, v2  }
0x43: {  	v36 =	vimm.s32 $0x0;
	v38 =	vimm.s32 $0x0;
	v2 =	vsel vm2, v1, v2  }
0x44: {  	[tilespmem:$0x1FFB0] =	vst v5;
	v5 =	vsel vm1, $0xFFFFFFFF, v36;
	v1 =	vsel vm2, v35, v1;
	vm1 =	vgt.f32 v3, v2  }
0x45: {  	v40 =	vld [tilespmem:$0x1FF40];
	[tilespmem:$0x1FFC0] =	vst v4;
	v4 =	vsel vm1, $0xFFFFFFFF, v38;
	v2 =	vsel vm1, v3, v2;
	vm1 =	vgt.f32 v3, v1  }
0x46: {  	v39 =	vsel vm13, $0x1, v0;
	vm0 =	vmand vm15, vm0;
	v2 =	vsel vm1, v1, v2  }
0x47: {  	vm15 =	vnez.u8 v6;
	v41 =	vld [tilespmem:$0x1FF50];
	v1 =	vsel vm1, v3, v1;
	vm13 =	vgt.f32 v37, v2  }
0x48: {  	v3 =	vsel vm0, $0x1, v0;
	vm0 =	vgt.f32 v37, v1;
	v2 =	vsel vm13, v37, v2  }
0x49: {  	v3 =	vsel vm15, $0x2, v3;
	v2 =	vsel vm0, v1, v2;
	v1 =	vsel vm0, v37, v1  }
0x4a: {  	vm15 =	vnez.u8 v40;
	v3 =	vsel vm11, v39, v3;
	v1 =	vsub.f32 v2, v1  }
0x4b: {  	v3 =	vsel vm15, $0x3, v3;
	v2 =	vsel vm11, $0x2, v39  }
0x4c: {  	vm15 =	vnez.u8 v41;
	v3 =	vsel vm9, v2, v3;
	v1 =	vmul.f32 $1.442695020e+00, v1  }
0x4d: {  	v2 =	vsel vm9, $0x3, v2;
	v3 =	vsel vm15, $0x4, v3  }
0x4e: {  	v3 =	vsel vm8, v2, v3;
	(erf) = vpow2.f32 v1;
	v1 =	vsel vm8, $0x4, v2;
	v2 =	vld [tilespmem:$0x1FF60];
	_ =	sdelay $0x4  }
0x4f: {  	vm15 =	vnez.u8 v2  }
0x50: {  	v2 =	vsel vm15, $0x5, v3;
	v3 =	vld [tilespmem:$0x1FF70];
	_ =	sdelay $0x4  }
0x51: {  	vm15 =	vnez.u8 v3;
	v3 =	vld [tilespmem:$0x1FF80];
	_ =	sdelay $0x2  }
0x52: {  	v2 =	vsel vm10, v1, v2  }
0x53: {  	v1 =	vsel vm10, $0x5, v1;
	v2 =	vsel vm15, $0x6, v2  }
0x54: {  	v2 =	vsel vm12, v1, v2;
	v1 =	vsel vm12, $0x6, v1;
	vm12 =	vnez.u8 v3;
	v3 =	vld [tilespmem:$0x1FF90];
	_ =	sdelay $0x4  }
0x55: {  	vm15 =	vnez.u8 v3;
	v3 =	vld [tilespmem:$0x1FFA0];
	_ =	sdelay $0x1  }
0x56: {  	v43 =	vld [tilespmem:$0x1FFB0];
	v2 =	vsel vm12, $0x7, v2  }
0x57: {  	v2 =	vsel vm14, v1, v2  }
0x58: {  	v44 =	vld [tilespmem:$0x1FFC0];
	v1 =	vsel vm14, $0x7, v1;
	v2 =	vsel vm15, $0x8, v2  }
0x59: {  	v2 =	vsel vm7, v1, v2;
	vm11 =	vnez.u8 v3  }
0x5a: {  	v45 =	vld [tilespmem:$0x1FFD0];
	v1 =	vsel vm7, $0x8, v1;
	v3 =	vpop (erf);
	v2 =	vsel vm11, $0x9, v2  }
0x5b: {  	[tilespmem:$0x1FFE0] =	vst v5;
	vm12 =	vnez.u8 v43;
	v42 =	vadd.f32 $1.000000000e+00, v3;
	v2 =	vsel vm6, v1, v2  }
0x5c: {  	v46 =	vld [tilespmem:$0x1FFE0];
	v1 =	vsel vm6, $0x9, v1;
	v2 =	vsel vm12, $0xA, v2  }
0x5d: {  	[tilespmem:$0x1FFF0] =	vst v4;
	vm14 =	vnez.u8 v44;
	(erf) = vrcp.f32 v42;
	v2 =	vsel vm5, v1, v2  }
0x5e: {  	v47 =	vld [tilespmem:$0x1FFF0];
	v1 =	vsel vm5, $0xA, v1;
	v2 =	vsel vm14, $0xB, v2  }
0x5f: {  	vm15 =	vnez.u8 v45;
	v2 =	vsel vm4, v1, v2  }
0x60: {  	v1 =	vsel vm4, $0xB, v1;
	v2 =	vsel vm15, $0xC, v2  }
0x61: {  	vm6 =	vnez.u8 v46;
	v2 =	vsel vm3, v1, v2  }
0x62: {  	v1 =	vsel vm3, $0xC, v1;
	v2 =	vsel vm6, $0xD, v2  }
0x63: {  	vm7 =	vnez.u8 v47;
	v2 =	vsel vm2, v1, v2  }
0x64: {  	v1 =	vsel vm2, $0xD, v1;
	v2 =	vsel vm7, $0xE, v2  }
0x65: {  	v2 =	vsel vm1, v1, v2  }
0x66: {  	v48 =	vsel vm1, $0xE, v1;
	v49 =	vpop (erf);
	v1 =	vsel vm13, $0xF, v2  }
0x67: {  	v3 =	vmul.f32 v49, v3;
	v2 =	vsel vm0, $0xF, v48;
	v1 =	vsel vm0, v48, v1  }
0x68: {  	vm10 =	veq.s32 v2, $0x0;
	vm12 =	veq.s32 v2, $0x1;
	vm13 =	veq.s32 v2, $0x2  }
0x69: {  	vm4 =	veq.s32 v2, $0x3;
	vm6 =	veq.s32 v2, $0x4;
	vm7 =	veq.s32 v2, $0x5  }
0x6a: {  	vm8 =	veq.s32 v1, $0x0;
	vm9 =	veq.s32 v1, $0x1;
	vm11 =	veq.s32 v1, $0x2  }
0x6b: {  	vm14 =	veq.s32 v1, $0x3;
	vm15 =	veq.s32 v1, $0x4;
	vm5 =	veq.s32 v1, $0x5  }
0x6c: {  	v50 =	vnsel vm8, $0x0, v3;
	v51 =	vnsel vm9, $0x0, v3;
	v7 =	vnsel vm11, $0x0, v3  }
0x6d: {  	v8 =	vnsel vm14, $0x0, v3;
	v9 =	vnsel vm15, $0x0, v3;
	v10 =	vnsel vm5, $0x0, v3  }
0x6e: {  	vm8 =	veq.s32 v1, $0x6;
	vm9 =	veq.s32 v1, $0x7;
	v4 =	vsel vm10, v49, v50  }
0x6f: {  	vm11 =	veq.s32 v1, $0x8;
	vm14 =	veq.s32 v1, $0x9;
	v6 =	vsel vm12, v49, v51;
	[tilespmem:s18+$0x1000] =	vst v4  }
0x70: {  	vm15 =	veq.s32 v1, $0xA;
	vm5 =	veq.s32 v1, $0xB;
	v7 =	vsel vm13, v49, v7;
	[tilespmem:s14+$0x1000] =	vst v6  }
0x71: {  	v8 =	vsel vm4, v49, v8;
	v9 =	vsel vm6, v49, v9;
	v52 =	vsel vm7, v49, v10;
	[tilespmem:s18+$0x1100] =	vst v7  }
0x72: {  	v53 =	vnsel vm8, $0x0, v3;
	vm10 =	veq.s32 v2, $0x6;
	v54 =	vnsel vm9, $0x0, v3;
	[tilespmem:s15+$0x1000] =	vst v8  }
0x73: {  	v55 =	vnsel vm11, $0x0, v3;
	vm12 =	veq.s32 v2, $0x7;
	vm13 =	veq.s32 v2, $0x8;
	[tilespmem:s18+$0x1200] =	vst v9  }
0x74: {  	v57 =	vnsel vm14, $0x0, v3;
	vm4 =	veq.s32 v2, $0x9;
	v6 =	vsel vm10, v49, v53;
	[tilespmem:s19+$0x1000] =	vst v52  }
0x75: {  	v58 =	vnsel vm15, $0x0, v3;
	v59 =	vnsel vm5, $0x0, v3;
	v56 =	vsel vm12, v49, v54;
	[tilespmem:s18+$0x1300] =	vst v6  }
0x76: {  	vm6 =	veq.s32 v2, $0xA;
	vm7 =	veq.s32 v2, $0xB;
	v7 =	vsel vm13, v49, v55;
	[tilespmem:s20+$0x1000] =	vst v56  }
0x77: {  	vm8 =	veq.s32 v1, $0xC;
	vm9 =	veq.s32 v1, $0xD;
	v9 =	vsel vm4, v49, v57;
	[tilespmem:s18+$0x1800] =	vst v7  }
0x78: {  	vm11 =	veq.s32 v1, $0xE;
	vm14 =	veq.s32 v1, $0xF;
	v4 =	vsel vm6, v49, v58;
	[tilespmem:s29+$0x1000] =	vst v9  }
0x79: {  	v60 =	vnsel vm8, $0x0, v3;
	vm10 =	veq.s32 v2, $0xC;
	v6 =	vsel vm7, v49, v59;
	[tilespmem:s18+$0x1900] =	vst v4  }
0x7a: {  	v61 =	vnsel vm9, $0x0, v3;
	vm12 =	veq.s32 v2, $0xD;
	v7 =	vsel vm10, v49, v60;
	[tilespmem:s30+$0x1000] =	vst v6  }
0x7b: {  	v62 =	vnsel vm11, $0x0, v3;
	v63 =	vsel vm12, v49, v61;
	vm13 =	veq.s32 v2, $0xE;
	[tilespmem:s18+$0x1A00] =	vst v7  }
0x7c: {  	vm15 =	veq.s32 v2, $0xF;
	v3 =	vnsel vm14, $0x0, v3;
	v4 =	vsel vm13, v49, v62;
	[tilespmem:s31+$0x1000] =	vst v63  }
0x7d: {  	s17 =	sshrl.u32 s17, $0x2;
	v3 =	vsel vm15, v49, v3;
	s14 =	simm.s32 $0x100;
	s15 =	simm.s32 $0x80;
	[tilespmem:s18+$0x1B00] =	vst v4  }
0x7e: {  	s19 =	sand.u32 $0xFFFFFC00, s15;
	s18 =	sor.u32 s16, s17;
	s16 =	simm.s32 $0x10;
	[tilespmem:s24+$0x1000] =	vst v3  }
.LBB2_2:
0x7f: {  	s28 =	sadd.s32 s19, s16;
	[tilespmem:s18+$0x2000] =	vst v2  }
0x80: {  	s17 =	sand.u32 $0x70, s16;
	s15 =	sand.u32 $0x7FFFFC00, s15;
	[tilespmem:s18+$0x2080] =	vst v1;
	s20 =	sor.u32 $0x80, s28  }
0x81: {  	s19 =	sor.u32 s17, s15;
	v1 =	vld [tilespmem:s20+$0x0]  }
0x82: {  	v2 =	vld [tilespmem:s19+$0x0];
	_ =	sdelay $0x2  }
0x83: {  	v3 =	vld [tilespmem:s19+$0x100]  }
0x84: {  	s21 =	smov.u32 s14;
	vm0 =	vlt.f32 v1, $-Inf;
	vm1 =	vgt.f32 v1, $-Inf  }
0x85: {  	s18 =	sshrl.u32 s15, $0x2;
	s15 =	smov.u32 s21;
	s21 =	sor.u32 $0x180, s28;
	vm2 =	vgt.f32 v1, v2;
	vm0 =	vmor vm1, vm0  }
0x86: {  	v6 =	vld [tilespmem:s21+$0x0];
	vm10 =	vmneg vm2;
	v4 =	vnsel vm0, $0xFF800000, v1  }
0x87: {  	v4 =	vsel vm10, v4, v2  }
0x88: {  	v1 =	vsel vm10, v2, v1;
	vm11 =	vgt.f32 v3, v4  }
0x89: {  	v7 =	vld [tilespmem:s19+$0x200];
	vm1 =	vgt.f32 v3, v1;
	v4 =	vsel vm11, v3, v4  }
0x8a: {  	v5 =	vsel vm2, $0x1, v0;
	vm0 =	vmand vm10, vm0;
	v4 =	vsel vm1, v1, v4  }
0x8b: {  	s22 =	sor.u32 $0x280, s28;
	v2 =	vsel vm0, $0x1, v0;
	v1 =	vsel vm1, v3, v1;
	vm12 =	vgt.f32 v6, v4  }
0x8c: {  	v9 =	vld [tilespmem:s22+$0x0];
	v2 =	vsel vm11, $0x2, v2;
	vm13 =	vgt.f32 v6, v1;
	v4 =	vsel vm12, v6, v4  }
0x8d: {  	v2 =	vsel vm1, v5, v2;
	v3 =	vsel vm1, $0x2, v5;
	v4 =	vsel vm13, v1, v4  }
0x8e: {  	v2 =	vsel vm12, $0x3, v2;
	v1 =	vsel vm13, v6, v1;
	vm14 =	vgt.f32 v7, v4  }
0x8f: {  	v10 =	vld [tilespmem:s19+$0x300];
	v2 =	vsel vm13, v3, v2;
	vm1 =	vgt.f32 v7, v1;
	v4 =	vsel vm14, v7, v4  }
0x90: {  	v3 =	vsel vm13, $0x3, v3;
	v2 =	vsel vm14, $0x4, v2;
	v4 =	vsel vm1, v1, v4  }
0x91: {  	s23 =	sor.u32 $0x380, s28;
	v2 =	vsel vm1, v3, v2;
	v1 =	vsel vm1, v7, v1;
	vm15 =	vgt.f32 v9, v4  }
0x92: {  	v11 =	vld [tilespmem:s23+$0x0];
	v3 =	vsel vm1, $0x4, v3;
	vm1 =	vgt.f32 v9, v1;
	v4 =	vsel vm15, v9, v4  }
0x93: {  	v2 =	vsel vm15, $0x5, v2;
	v4 =	vsel vm1, v1, v4  }
0x94: {  	s24 =	sor.u32 $0x800, s19;
	v2 =	vsel vm1, v3, v2;
	v1 =	vsel vm1, v9, v1;
	vm4 =	vgt.f32 v10, v4  }
0x95: {  	v12 =	vld [tilespmem:s24+$0x0];
	v3 =	vsel vm1, $0x5, v3;
	vm1 =	vgt.f32 v10, v1;
	v4 =	vsel vm4, v10, v4  }
0x96: {  	v4 =	vsel vm1, v1, v4  }
0x97: {  	s24 =	sor.u32 $0x880, s28;
	v1 =	vsel vm1, v10, v1;
	vm5 =	vgt.f32 v11, v4  }
0x98: {  	v13 =	vld [tilespmem:s24+$0x0];
	v2 =	vsel vm4, $0x6, v2;
	vm6 =	vgt.f32 v11, v1;
	v4 =	vsel vm5, v11, v4  }
0x99: {  	v2 =	vsel vm1, v3, v2;
	v4 =	vsel vm6, v1, v4  }
0x9a: {  	s25 =	sor.u32 $0x900, s19;
	v3 =	vsel vm1, $0x6, v3;
	v1 =	vsel vm6, v11, v1;
	vm7 =	vgt.f32 v12, v4  }
0x9b: {  	v14 =	vld [tilespmem:s25+$0x0];
	v2 =	vsel vm5, $0x7, v2;
	vm8 =	vgt.f32 v12, v1;
	v4 =	vsel vm7, v12, v4  }
0x9c: {  	v2 =	vsel vm6, v3, v2;
	v4 =	vsel vm8, v1, v4  }
0x9d: {  	s30 =	sor.u32 $0x980, s28;
	v3 =	vsel vm6, $0x7, v3;
	v1 =	vsel vm8, v12, v1;
	vm9 =	vgt.f32 v13, v4  }
0x9e: {  	v15 =	vld [tilespmem:s30+$0x0];
	v2 =	vsel vm7, $0x8, v2;
	vm10 =	vgt.f32 v13, v1;
	v4 =	vsel vm9, v13, v4  }
0x9f: {  	v2 =	vsel vm8, v3, v2;
	v3 =	vsel vm8, $0x8, v3;
	v4 =	vsel vm10, v1, v4  }
0xa0: {  	s26 =	sor.u32 $0xA00, s19;
	v2 =	vsel vm9, $0x9, v2;
	v1 =	vsel vm10, v13, v1;
	vm11 =	vgt.f32 v14, v4  }
0xa1: {  	v16 =	vld [tilespmem:s26+$0x0];
	v2 =	vsel vm10, v3, v2;
	vm12 =	vgt.f32 v14, v1;
	v4 =	vsel vm11, v14, v4  }
0xa2: {  	v3 =	vsel vm10, $0x9, v3;
	v2 =	vsel vm11, $0xA, v2;
	v4 =	vsel vm12, v1, v4  }
0xa3: {  	s31 =	sor.u32 $0xA80, s28;
	v8 =	vsel vm12, $0xA, v3;
	v1 =	vsel vm12, v14, v1;
	vm13 =	vgt.f32 v15, v4  }
0xa4: {  	v17 =	vld [tilespmem:s31+$0x0];
	v2 =	vsel vm12, v3, v2;
	vm1 =	vgt.f32 v15, v1;
	v3 =	vsel vm13, v15, v4  }
0xa5: {  	v2 =	vsel vm13, $0xB, v2;
	v3 =	vsel vm1, v1, v3  }
0xa6: {  	s29 =	sor.u32 $0xB00, s19;
	v18 =	vsel vm1, $0xB, v8;
	v1 =	vsel vm1, v15, v1;
	vm14 =	vgt.f32 v16, v3  }
0xa7: {  	v19 =	vld [tilespmem:s29+$0x0];
	v2 =	vsel vm1, v8, v2;
	vm1 =	vgt.f32 v16, v1;
	v3 =	vsel vm14, v16, v3  }
0xa8: {  	v3 =	vsel vm1, v1, v3  }
0xa9: {  	s28 =	sor.u32 $0xB80, s28;
	v1 =	vsel vm1, v16, v1;
	vm15 =	vgt.f32 v17, v3  }
0xaa: {  	v21 =	vld [tilespmem:s28+$0x0];
	vm4 =	vgt.f32 v17, v1;
	v3 =	vsel vm15, v17, v3  }
0xab: {  	v3 =	vsel vm4, v1, v3  }
0xac: {  	v1 =	vsel vm4, v17, v1;
	vm5 =	vgt.f32 v19, v3  }
0xad: {  	vm6 =	vgt.f32 v19, v1;
	v3 =	vsel vm5, v19, v3  }
0xae: {  	v3 =	vsel vm6, v1, v3  }
0xaf: {  	v5 =	vsel vm6, v19, v1;
	vm7 =	vgt.f32 v21, v3  }
0xb0: {  	vm8 =	vgt.f32 v21, v5;
	v3 =	vsel vm7, v21, v3  }
0xb1: {  	v23 =	vsel vm8, v21, v5;
	v3 =	vsel vm8, v5, v3  }
0xb2: {  	v3 =	vsub.f32 v3, v23;
	_ =	sdelay $0x1  }
0xb3: {  	v2 =	vsel vm14, $0xC, v2;
	v3 =	vmul.f32 $1.442695020e+00, v3  }
0xb4: {  	v25 =	vimm.s32 $0x0;
	v26 =	vimm.s32 $0x0;
	v2 =	vsel vm1, v18, v2  }
0xb5: {  	v20 =	vsel vm1, $0xC, v18;
	v2 =	vsel vm15, $0xD, v2;
	(erf) = vpow2.f32 v3  }
0xb6: {  	v27 =	vimm.s32 $0x0;
	v28 =	vimm.s32 $0x0;
	v2 =	vsel vm4, v20, v2  }
0xb7: {  	v29 =	vimm.s32 $0x0;
	v22 =	vsel vm4, $0xD, v20;
	v2 =	vsel vm5, $0xE, v2  }
0xb8: {  	v30 =	vimm.s32 $0x0;
	v31 =	vimm.s32 $0x0;
	v1 =	vsel vm6, v22, v2  }
0xb9: {  	v32 =	vimm.s32 $0x0;
	v2 =	vsel vm6, $0xE, v22;
	v1 =	vsel vm7, $0xF, v1  }
0xba: {  	v33 =	vimm.s32 $0x0;
	v1 =	vsel vm8, v2, v1;
	v2 =	vsel vm8, $0xF, v2  }
0xbb: {  	v34 =	vimm.s32 $0x0;
	v35 =	vimm.s32 $0x0;
	vm9 =	veq.s32 v2, $0xE  }
0xbc: {  	v36 =	vimm.s32 $0x0;
	vm10 =	veq.s32 v1, $0xF;
	v4 =	vsel vm9, $0xFFFFFFFF, v25  }
0xbd: {  	v37 =	vimm.s32 $0x0;
	vm11 =	veq.s32 v2, $0xC;
	[tilespmem:$0x1FF10] =	vst v4;
	v4 =	vsel vm10, $0xFFFFFFFF, v26  }
0xbe: {  	v38 =	vimm.s32 $0x0;
	vm12 =	veq.s32 v2, $0xD;
	[tilespmem:$0x1FF20] =	vst v4;
	v4 =	vsel vm11, $0xFFFFFFFF, v27;
	v3 =	vpop (erf)  }
0xbf: {  	vm13 =	veq.s32 v1, $0xE;
	[tilespmem:$0x1FEF0] =	vst v4;
	v4 =	vsel vm12, $0xFFFFFFFF, v28;
	v24 =	vadd.f32 $1.000000000e+00, v3  }
0xc0: {  	v39 =	vimm.s32 $0x0;
	vm14 =	veq.s32 v2, $0xB;
	[tilespmem:$0x1FF00] =	vst v4;
	v4 =	vsel vm13, $0xFFFFFFFF, v29  }
0xc1: {  	vm15 =	veq.s32 v1, $0xC;
	[tilespmem:$0x1FEE0] =	vst v4;
	v4 =	vsel vm14, $0xFFFFFFFF, v30;
	(erf) = vrcp.f32 v24  }
0xc2: {  	vm4 =	veq.s32 v1, $0xD;
	vm5 =	veq.s32 v2, $0x9;
	[tilespmem:$0x1FEB0] =	vst v4;
	v4 =	vsel vm15, $0xFFFFFFFF, v31  }
0xc3: {  	vm6 =	veq.s32 v2, $0xA;
	vm7 =	veq.s32 v1, $0xB;
	[tilespmem:$0x1FEC0] =	vst v4;
	v4 =	vsel vm4, $0xFFFFFFFF, v32  }
0xc4: {  	vm8 =	veq.s32 v2, $0x8;
	vm3 =	veq.s32 v2, $0x1;
	[tilespmem:$0x1FED0] =	vst v4;
	v4 =	vsel vm5, $0xFFFFFFFF, v33  }
0xc5: {  	vm0 =	veq.s32 v1, $0x0;
	vm1 =	veq.s32 v1, $0x1;
	[tilespmem:$0x1FE90] =	vst v4;
	v4 =	vsel vm6, $0xFFFFFFFF, v34  }
0xc6: {  	vm2 =	veq.s32 v1, $0x2;
	vm9 =	veq.s32 v1, $0x9;
	[tilespmem:$0x1FEA0] =	vst v4;
	v4 =	vsel vm7, $0xFFFFFFFF, v35  }
0xc7: {  	vm10 =	veq.s32 v1, $0xA;
	vm11 =	veq.s32 v2, $0x6;
	[tilespmem:$0x1FE80] =	vst v4;
	v4 =	vsel vm8, $0xFFFFFFFF, v36  }
0xc8: {  	vm12 =	veq.s32 v1, $0x6;
	vm13 =	veq.s32 v1, $0x7;
	v57 =	vld [tilespmem:$0x1FEB0];
	[tilespmem:$0x1FE50] =	vst v4;
	v4 =	vsel vm9, $0xFFFFFFFF, v37  }
0xc9: {  	vm14 =	veq.s32 v1, $0x8;
	vm15 =	veq.s32 v2, $0x7;
	v58 =	vld [tilespmem:$0x1FEC0];
	[tilespmem:$0x1FE60] =	vst v4;
	v4 =	vsel vm10, $0xFFFFFFFF, v38  }
0xca: {  	vm4 =	veq.s32 v2, $0x0;
	vm5 =	veq.s32 v2, $0x2;
	v59 =	vld [tilespmem:$0x1FED0];
	[tilespmem:$0x1FE70] =	vst v4;
	v4 =	vsel vm11, $0xFFFFFFFF, v39;
	v40 =	vpop (erf)  }
0xcb: {  	vm6 =	veq.s32 v1, $0x4;
	vm7 =	veq.s32 v1, $0x3;
	v52 =	vld [tilespmem:$0x1FE50];
	[tilespmem:$0x1FE40] =	vst v4;
	v3 =	vmul.f32 v40, v3  }
0xcc: {  	vm8 =	veq.s32 v1, $0x5;
	vm9 =	veq.s32 v2, $0x4;
	vm10 =	veq.s32 v2, $0x3;
	v50 =	vld [tilespmem:$0x1FE40]  }
0xcd: {  	vm11 =	veq.s32 v2, $0x5;
	v53 =	vld [tilespmem:$0x1FE60];
	v41 =	vnsel vm0, $0x0, v3;
	v42 =	vnsel vm1, $0x0, v3  }
0xce: {  	v56 =	vld [tilespmem:$0x1FEA0];
	v43 =	vnsel vm2, $0x0, v3;
	v44 =	vnsel vm7, $0x0, v3;
	v5 =	vsel vm4, v40, v41  }
0xcf: {  	v11 =	vld [tilespmem:$0x1FE80];
	v45 =	vnsel vm6, $0x0, v3;
	v9 =	vnsel vm8, $0x0, v3;
	v6 =	vsel vm3, v40, v42;
	[tilespmem:s19+$0x1000] =	vst v5  }
0xd0: {  	v54 =	vld [tilespmem:$0x1FE70];
	v48 =	vnsel vm12, $0x0, v3;
	v49 =	vnsel vm13, $0x0, v3;
	v7 =	vsel vm5, v40, v43;
	[tilespmem:s20+$0x1000] =	vst v6  }
0xd1: {  	v55 =	vld [tilespmem:$0x1FE90];
	v10 =	vnsel vm14, $0x0, v3;
	vm12 =	vnez.u8 v50;
	v5 =	vsel vm10, v40, v44;
	[tilespmem:s19+$0x1100] =	vst v7  }
0xd2: {  	v60 =	vld [tilespmem:$0x1FEF0];
	vm13 =	vnez.u8 v52;
	vm14 =	vnez.u8 v53;
	v46 =	vsel vm9, v40, v45;
	[tilespmem:s21+$0x1000] =	vst v5  }
0xd3: {  	v62 =	vld [tilespmem:$0x1FF10];
	vm6 =	vnez.u8 v56;
	vm7 =	vnez.u8 v57;
	v47 =	vsel vm11, v40, v9;
	[tilespmem:s19+$0x1200] =	vst v46  }
0xd4: {  	v12 =	vld [tilespmem:$0x1FEE0];
	vm8 =	vnez.u8 v58;
	v51 =	vsel vm15, v40, v49;
	v5 =	vsel vm12, v40, v48;
	[tilespmem:s22+$0x1000] =	vst v47  }
0xd5: {  	v61 =	vld [tilespmem:$0x1FF00];
	v9 =	vsel vm13, v40, v10;
	vm15 =	vnez.u8 v54;
	vm4 =	vnez.u8 v11;
	[tilespmem:s19+$0x1300] =	vst v5  }
0xd6: {  	v63 =	vld [tilespmem:$0x1FF20];
	vm5 =	vnez.u8 v55;
	vm9 =	vnez.u8 v59;
	v6 =	vnsel vm14, $0x0, v3;
	[tilespmem:s23+$0x1000] =	vst v51  }
0xd7: {  	vm11 =	vnez.u8 v60;
	v10 =	vnsel vm15, $0x0, v3;
	v6 =	vsel vm5, v40, v6;
	[tilespmem:s19+$0x1800] =	vst v9  }
0xd8: {  	vm13 =	vnez.u8 v62;
	v11 =	vnsel vm4, $0x0, v3;
	v8 =	vsel vm6, v40, v10;
	[tilespmem:s24+$0x1000] =	vst v6  }
0xd9: {  	p0 =	sne.s32 s14, $0x780;
	vm10 =	vnez.u8 v12;
	v10 =	vsel vm7, v40, v11;
	v5 =	vnsel vm8, $0x0, v3;
	[tilespmem:s19+$0x1900] =	vst v8  }
.Ltmp0:
0xda: {  	v11 =	vnsel vm9, $0x0, v3;
	vm12 =	vnez.u8 v61;
	v5 =	vsel vm11, v40, v5;
	[tilespmem:s30+$0x1000] =	vst v10;
	(pc) =	sbr.rel @p0 .LBB2_2-.Ltmp0, $4  }
0xdb: {  	vm15 =	vnez.u8 v63;
	v12 =	vnsel vm10, $0x0, v3;
	v7 =	vsel vm12, v40, v11;
	[tilespmem:s19+$0x1A00] =	vst v5  }
0xdc: {  	vm14 =	veq.s32 v2, $0xF;
	v11 =	vsel vm13, v40, v12;
	v3 =	vnsel vm15, $0x0, v3;
	[tilespmem:s31+$0x1000] =	vst v7  }
0xdd: {  	s14 =	sadd.s32 $0x80, s14;
	v3 =	vsel vm14, v40, v3;
	[tilespmem:s19+$0x1B00] =	vst v11  }
0xde: {  	s16 =	sadd.s32 $0x10, s16;
	s18 =	sor.u32 s17, s18;
	s19 =	sand.u32 $0xFFFFFC00, s15;
	[tilespmem:s28+$0x1000] =	vst v3  }
0xdf: {  	s24 =	sadd.s32 s19, s16;
	[tilespmem:s18+$0x2000] =	vst v2  }
0xe0: {  	s14 =	sand.u32 $0x70, s16;
	s15 =	sand.u32 $0x7FFFFC00, s15;
	[tilespmem:s18+$0x2080] =	vst v1;
	s17 =	sor.u32 $0x80, s24  }
0xe1: {  	s16 =	sor.u32 s14, s15;
	v1 =	vld [tilespmem:s17+$0x0]  }
0xe2: {  	v2 =	vld [tilespmem:s16+$0x0];
	_ =	sdelay $0x2  }
0xe3: {  	v3 =	vld [tilespmem:s16+$0x100]  }
0xe4: {  	vm0 =	vlt.f32 v1, $-Inf;
	vm1 =	vgt.f32 v1, $-Inf  }
0xe5: {  	vm13 =	vgt.f32 v1, v2;
	vm0 =	vmor vm1, vm0  }
0xe6: {  	s28 =	sor.u32 $0x180, s24;
	vm15 =	vmneg vm13;
	v4 =	vnsel vm0, $0xFF800000, v1  }
0xe7: {  	v5 =	vld [tilespmem:s28+$0x0];
	v4 =	vsel vm15, v4, v2  }
0xe8: {  	v1 =	vsel vm15, v2, v1;
	v2 =	vimm.s32 $0x0;
	vm7 =	vgt.f32 v3, v4  }
0xe9: {  	v2 =	vsel vm7, $0xFFFFFFFF, v2  }
0xea: {  	vm11 =	vgt.f32 v3, v1;
	[tilespmem:$0x1FD70] =	vst v2;
	v2 =	vsel vm7, v3, v4  }
0xeb: {  	v24 =	vld [tilespmem:s16+$0x200];
	v2 =	vsel vm11, v1, v2  }
0xec: {  	v1 =	vsel vm11, v3, v1;
	v3 =	vimm.s32 $0x0;
	vm12 =	vgt.f32 v5, v2  }
0xed: {  	s19 =	sor.u32 $0x280, s24;
	v3 =	vsel vm12, $0xFFFFFFFF, v3  }
0xee: {  	vm9 =	vgt.f32 v5, v1;
	v2 =	vsel vm12, v5, v2;
	[tilespmem:$0x1FD80] =	vst v3;
	v3 =	vld [tilespmem:s19+$0x0]  }
0xef: {  	v2 =	vsel vm9, v1, v2  }
0xf0: {  	v1 =	vsel vm9, v5, v1;
	vm14 =	vgt.f32 v24, v2  }
0xf1: {  	v26 =	vld [tilespmem:s16+$0x300];
	vm8 =	vgt.f32 v24, v1;
	v2 =	vsel vm14, v24, v2  }
0xf2: {  	v2 =	vsel vm8, v1, v2  }
0xf3: {  	v1 =	vsel vm8, v24, v1;
	vm4 =	vgt.f32 v3, v2  }
0xf4: {  	s20 =	sor.u32 $0x380, s24;
	vm10 =	vgt.f32 v3, v1;
	v2 =	vsel vm4, v3, v2  }
0xf5: {  	v28 =	vld [tilespmem:s20+$0x0];
	v2 =	vsel vm10, v1, v2  }
0xf6: {  	v1 =	vsel vm10, v3, v1;
	v3 =	vimm.s32 $0x0;
	vm5 =	vgt.f32 v26, v2  }
0xf7: {  	s21 =	sor.u32 $0x800, s16;
	v3 =	vsel vm5, $0xFFFFFFFF, v3  }
0xf8: {  	vm12 =	vgt.f32 v26, v1;
	v2 =	vsel vm5, v26, v2;
	[tilespmem:$0x1FDB0] =	vst v3;
	v3 =	vld [tilespmem:s21+$0x0]  }
0xf9: {  	v2 =	vsel vm12, v1, v2  }
0xfa: {  	v25 =	vimm.s32 $0x0;
	s29 =	sor.u32 $0x880, s24;
	v1 =	vsel vm12, v26, v1;
	vm6 =	vgt.f32 v28, v2  }
0xfb: {  	v30 =	vld [tilespmem:s29+$0x0];
	v5 =	vsel vm14, $0xFFFFFFFF, v25;
	vm14 =	vgt.f32 v28, v1;
	v2 =	vsel vm6, v28, v2  }
0xfc: {  	v27 =	vimm.s32 $0x0;
	v31 =	vimm.s32 $0x0;
	v2 =	vsel vm14, v1, v2  }
0xfd: {  	v4 =	vsel vm4, $0xFFFFFFFF, v27;
	v1 =	vsel vm14, v28, v1;
	vm7 =	vgt.f32 v3, v2  }
0xfe: {  	s22 =	sor.u32 $0x900, s16;
	[tilespmem:$0x1FDA0] =	vst v4;
	v4 =	vsel vm7, $0xFFFFFFFF, v31;
	v2 =	vsel vm7, v3, v2;
	vm7 =	vgt.f32 v3, v1  }
0xff: {  	v32 =	vld [tilespmem:s22+$0x0];
	v2 =	vsel vm7, v1, v2  }
0x100: {  	v1 =	vsel vm7, v3, v1;
	v3 =	vimm.s32 $0x0;
	vm4 =	vgt.f32 v30, v2  }
0x101: {  	v29 =	vimm.s32 $0x0;
	s30 =	sor.u32 $0x980, s24;
	[tilespmem:$0x1FD90] =	vst v5;
	v3 =	vsel vm4, $0xFFFFFFFF, v3  }
0x102: {  	v5 =	vsel vm6, $0xFFFFFFFF, v29;
	vm6 =	vgt.f32 v30, v1;
	v2 =	vsel vm4, v30, v2;
	[tilespmem:$0x1FDE0] =	vst v3;
	v3 =	vld [tilespmem:s30+$0x0]  }
0x103: {  	v2 =	vsel vm6, v1, v2  }
0x104: {  	v33 =	vimm.s32 $0x0;
	s23 =	sor.u32 $0xA00, s16;
	v1 =	vsel vm6, v30, v1;
	vm5 =	vgt.f32 v32, v2  }
0x105: {  	v34 =	vld [tilespmem:s23+$0x0];
	[tilespmem:$0x1FDC0] =	vst v5;
	v5 =	vsel vm5, $0xFFFFFFFF, v33;
	v2 =	vsel vm5, v32, v2;
	vm5 =	vgt.f32 v32, v1  }
0x106: {  	v2 =	vsel vm5, v1, v2  }
0x107: {  	v35 =	vimm.s32 $0x0;
	v1 =	vsel vm5, v32, v1;
	vm4 =	vgt.f32 v3, v2  }
0x108: {  	s31 =	sor.u32 $0xA80, s24;
	[tilespmem:$0x1FDD0] =	vst v4;
	v4 =	vsel vm4, $0xFFFFFFFF, v35;
	v2 =	vsel vm4, v3, v2;
	vm4 =	vgt.f32 v3, v1  }
0x109: {  	v36 =	vld [tilespmem:s31+$0x0];
	v2 =	vsel vm4, v1, v2  }
0x10a: {  	v1 =	vsel vm4, v3, v1;
	v3 =	vimm.s32 $0x0;
	vm1 =	vgt.f32 v34, v2  }
0x10b: {  	s25 =	sor.u32 $0xB00, s16;
	v3 =	vsel vm1, $0xFFFFFFFF, v3  }
0x10c: {  	vm3 =	vgt.f32 v34, v1;
	v2 =	vsel vm1, v34, v2;
	[tilespmem:$0x1FE10] =	vst v3;
	v3 =	vld [tilespmem:s25+$0x0]  }
0x10d: {  	s24 =	sor.u32 $0xB80, s24;
	v2 =	vsel vm3, v1, v2  }
0x10e: {  	v38 =	vld [tilespmem:s24+$0x0];
	v1 =	vsel vm3, v34, v1;
	vm1 =	vgt.f32 v36, v2  }
0x10f: {  	v6 =	vld [tilespmem:$0x1FD70];
	vm2 =	vgt.f32 v36, v1;
	v2 =	vsel vm1, v36, v2  }
0x110: {  	v37 =	vimm.s32 $0x0;
	v39 =	vimm.s32 $0x0;
	v2 =	vsel vm2, v1, v2  }
0x111: {  	[tilespmem:$0x1FDF0] =	vst v5;
	v5 =	vsel vm1, $0xFFFFFFFF, v37;
	v1 =	vsel vm2, v36, v1;
	vm1 =	vgt.f32 v3, v2  }
0x112: {  	v41 =	vld [tilespmem:$0x1FD80];
	[tilespmem:$0x1FE00] =	vst v4;
	v4 =	vsel vm1, $0xFFFFFFFF, v39;
	v2 =	vsel vm1, v3, v2;
	vm1 =	vgt.f32 v3, v1  }
0x113: {  	v40 =	vsel vm13, $0x1, v0;
	vm0 =	vmand vm15, vm0;
	v2 =	vsel vm1, v1, v2  }
0x114: {  	vm15 =	vnez.u8 v6;
	v42 =	vld [tilespmem:$0x1FD90];
	v1 =	vsel vm1, v3, v1;
	vm13 =	vgt.f32 v38, v2  }
0x115: {  	v3 =	vsel vm0, $0x1, v0;
	vm0 =	vgt.f32 v38, v1;
	v2 =	vsel vm13, v38, v2  }
0x116: {  	v3 =	vsel vm15, $0x2, v3;
	v2 =	vsel vm0, v1, v2;
	v1 =	vsel vm0, v38, v1  }
0x117: {  	vm15 =	vnez.u8 v41;
	v3 =	vsel vm11, v40, v3;
	v1 =	vsub.f32 v2, v1  }
0x118: {  	v3 =	vsel vm15, $0x3, v3;
	v2 =	vsel vm11, $0x2, v40  }
0x119: {  	vm15 =	vnez.u8 v42;
	v3 =	vsel vm9, v2, v3;
	v1 =	vmul.f32 $1.442695020e+00, v1  }
0x11a: {  	v2 =	vsel vm9, $0x3, v2;
	v3 =	vsel vm15, $0x4, v3  }
0x11b: {  	v3 =	vsel vm8, v2, v3;
	(erf) = vpow2.f32 v1;
	v1 =	vsel vm8, $0x4, v2;
	v2 =	vld [tilespmem:$0x1FDA0];
	_ =	sdelay $0x4  }
0x11c: {  	vm15 =	vnez.u8 v2  }
0x11d: {  	v2 =	vsel vm15, $0x5, v3;
	v3 =	vld [tilespmem:$0x1FDB0];
	_ =	sdelay $0x4  }
0x11e: {  	vm15 =	vnez.u8 v3;
	v3 =	vld [tilespmem:$0x1FDC0];
	_ =	sdelay $0x2  }
0x11f: {  	v2 =	vsel vm10, v1, v2  }
0x120: {  	v1 =	vsel vm10, $0x5, v1;
	v2 =	vsel vm15, $0x6, v2  }
0x121: {  	v2 =	vsel vm12, v1, v2;
	v1 =	vsel vm12, $0x6, v1;
	vm12 =	vnez.u8 v3;
	v3 =	vld [tilespmem:$0x1FDD0];
	_ =	sdelay $0x4  }
0x122: {  	vm15 =	vnez.u8 v3;
	v3 =	vld [tilespmem:$0x1FDE0];
	_ =	sdelay $0x1  }
0x123: {  	v44 =	vld [tilespmem:$0x1FDF0];
	v2 =	vsel vm12, $0x7, v2  }
0x124: {  	v2 =	vsel vm14, v1, v2  }
0x125: {  	v45 =	vld [tilespmem:$0x1FE00];
	v1 =	vsel vm14, $0x7, v1;
	v2 =	vsel vm15, $0x8, v2  }
0x126: {  	v2 =	vsel vm7, v1, v2;
	vm11 =	vnez.u8 v3  }
0x127: {  	v46 =	vld [tilespmem:$0x1FE10];
	v1 =	vsel vm7, $0x8, v1;
	v3 =	vpop (erf);
	v2 =	vsel vm11, $0x9, v2  }
0x128: {  	[tilespmem:$0x1FE20] =	vst v5;
	vm12 =	vnez.u8 v44;
	v43 =	vadd.f32 $1.000000000e+00, v3;
	v2 =	vsel vm6, v1, v2  }
0x129: {  	v47 =	vld [tilespmem:$0x1FE20];
	v1 =	vsel vm6, $0x9, v1;
	v2 =	vsel vm12, $0xA, v2  }
0x12a: {  	[tilespmem:$0x1FE30] =	vst v4;
	vm14 =	vnez.u8 v45;
	(erf) = vrcp.f32 v43;
	v2 =	vsel vm5, v1, v2  }
0x12b: {  	v48 =	vld [tilespmem:$0x1FE30];
	v1 =	vsel vm5, $0xA, v1;
	v2 =	vsel vm14, $0xB, v2  }
0x12c: {  	vm15 =	vnez.u8 v46;
	v2 =	vsel vm4, v1, v2  }
0x12d: {  	v1 =	vsel vm4, $0xB, v1;
	v2 =	vsel vm15, $0xC, v2  }
0x12e: {  	vm6 =	vnez.u8 v47;
	v2 =	vsel vm3, v1, v2  }
0x12f: {  	v1 =	vsel vm3, $0xC, v1;
	v2 =	vsel vm6, $0xD, v2  }
0x130: {  	vm7 =	vnez.u8 v48;
	v2 =	vsel vm2, v1, v2  }
0x131: {  	v1 =	vsel vm2, $0xD, v1;
	v2 =	vsel vm7, $0xE, v2  }
0x132: {  	v2 =	vsel vm1, v1, v2  }
0x133: {  	v1 =	vsel vm1, $0xE, v1;
	v49 =	vpop (erf);
	v2 =	vsel vm13, $0xF, v2  }
0x134: {  	v3 =	vmul.f32 v49, v3;
	v2 =	vsel vm0, v1, v2;
	v1 =	vsel vm0, $0xF, v1  }
0x135: {  	vm8 =	veq.s32 v2, $0x0;
	vm9 =	veq.s32 v2, $0x1;
	vm10 =	veq.s32 v1, $0x0  }
0x136: {  	vm11 =	veq.s32 v2, $0x2;
	vm12 =	veq.s32 v1, $0x1;
	vm13 =	veq.s32 v1, $0x2  }
0x137: {  	vm14 =	veq.s32 v2, $0x3;
	vm15 =	veq.s32 v2, $0x4;
	vm4 =	veq.s32 v1, $0x3  }
0x138: {  	vm5 =	veq.s32 v2, $0x5;
	vm6 =	veq.s32 v1, $0x4;
	vm7 =	veq.s32 v1, $0x5  }
0x139: {  	v50 =	vnsel vm8, $0x0, v3;
	v51 =	vnsel vm9, $0x0, v3;
	v7 =	vnsel vm11, $0x0, v3  }
0x13a: {  	v8 =	vnsel vm14, $0x0, v3;
	v9 =	vnsel vm15, $0x0, v3;
	v10 =	vnsel vm5, $0x0, v3  }
0x13b: {  	vm8 =	veq.s32 v2, $0x6;
	vm9 =	veq.s32 v2, $0x7;
	v5 =	vsel vm10, v49, v50  }
0x13c: {  	vm11 =	veq.s32 v2, $0x8;
	vm14 =	veq.s32 v2, $0x9;
	v6 =	vsel vm12, v49, v51;
	[tilespmem:s16+$0x1000] =	vst v5  }
0x13d: {  	vm15 =	veq.s32 v2, $0xA;
	vm5 =	veq.s32 v2, $0xB;
	v7 =	vsel vm13, v49, v7;
	[tilespmem:s17+$0x1000] =	vst v6  }
0x13e: {  	v8 =	vsel vm4, v49, v8;
	v9 =	vsel vm6, v49, v9;
	v52 =	vsel vm7, v49, v10;
	[tilespmem:s16+$0x1100] =	vst v7  }
0x13f: {  	v53 =	vnsel vm8, $0x0, v3;
	vm10 =	veq.s32 v1, $0x6;
	v54 =	vnsel vm9, $0x0, v3;
	[tilespmem:s28+$0x1000] =	vst v8  }
0x140: {  	v55 =	vnsel vm11, $0x0, v3;
	vm12 =	veq.s32 v1, $0x7;
	vm13 =	veq.s32 v1, $0x8;
	[tilespmem:s16+$0x1200] =	vst v9  }
0x141: {  	v57 =	vnsel vm14, $0x0, v3;
	vm4 =	veq.s32 v1, $0x9;
	v6 =	vsel vm10, v49, v53;
	[tilespmem:s19+$0x1000] =	vst v52  }
0x142: {  	v58 =	vnsel vm15, $0x0, v3;
	v59 =	vnsel vm5, $0x0, v3;
	v56 =	vsel vm12, v49, v54;
	[tilespmem:s16+$0x1300] =	vst v6  }
0x143: {  	vm6 =	veq.s32 v1, $0xA;
	vm7 =	veq.s32 v1, $0xB;
	v7 =	vsel vm13, v49, v55;
	[tilespmem:s20+$0x1000] =	vst v56  }
0x144: {  	vm8 =	veq.s32 v2, $0xC;
	vm9 =	veq.s32 v2, $0xD;
	v9 =	vsel vm4, v49, v57;
	[tilespmem:s16+$0x1800] =	vst v7  }
0x145: {  	vm11 =	veq.s32 v2, $0xE;
	vm14 =	veq.s32 v2, $0xF;
	v5 =	vsel vm6, v49, v58;
	[tilespmem:s29+$0x1000] =	vst v9  }
0x146: {  	v60 =	vnsel vm8, $0x0, v3;
	vm10 =	veq.s32 v1, $0xC;
	v6 =	vsel vm7, v49, v59;
	[tilespmem:s16+$0x1900] =	vst v5  }
0x147: {  	v61 =	vnsel vm9, $0x0, v3;
	vm12 =	veq.s32 v1, $0xD;
	v7 =	vsel vm10, v49, v60;
	[tilespmem:s30+$0x1000] =	vst v6  }
0x148: {  	v62 =	vnsel vm11, $0x0, v3;
	v63 =	vsel vm12, v49, v61;
	vm13 =	veq.s32 v1, $0xE;
	[tilespmem:s16+$0x1A00] =	vst v7  }
0x149: {  	vm15 =	veq.s32 v1, $0xF;
	v3 =	vnsel vm14, $0x0, v3;
	v5 =	vsel vm13, v49, v62;
	[tilespmem:s31+$0x1000] =	vst v63  }
0x14a: {  	s15 =	sshrl.u32 s15, $0x2;
	v3 =	vsel vm15, v49, v3;
	[tilespmem:s16+$0x1B00] =	vst v5  }
0x14b: {  	s14 =	sor.u32 s14, s15;
	[tilespmem:s24+$0x1000] =	vst v3  }
0x14c: {  	[tilespmem:s14+$0x2000] =	vst v1  }
0x14d: {  	[tilespmem:s14+$0x2080] =	vst v2  }
0x14e: {  	[hbm4b:s4+s7] =	stream.strided.scatter [tilespmem:s11], [sflag:$0x1], $0x1000, s10, s7, $0x38;
	[tilespmem:$0x2200] =	vst v63  }
0x14f: {  	s13 =	sadd.s32 $0x1, s13;
	_ =	swait.ge [sflag:s9], $0x1000  }
0x150: {  	p0 =	sne.s32 s13, s6;
	[sflag:s9] =	ssyncset.done $0x0  }
.Ltmp1:
0x151: {  	[sflag:s9] =	ssyncadd.s32 $0xFFFFF000;
	(pc) =	sbr.rel @p0 .LBB2_1-.Ltmp1, $4  }
0x152: {  	[hbm4b:s5+s2] =	stream.linear.scatter [tilespmem:s12], [sflag:$0x1], $0x200, $0x38;
	[tilespmem:$0x2200] =	vst v63  }
0x153: {  	_ =	swait.ge [sflag:s9], $0x200  }
0x154: {  	[sflag:s9] =	ssyncset.done $0x0  }
0x155: {  	[sflag:s9] =	ssyncadd.s32 $0xFFFFFE00  }
0x156: {  	_ =	sfence.sel $0x180000  }
0x157: {  	[bflag:$0x0] =	sbarrier.arrive $0xFFFF  }
0x158: {  	p0 =	sne.s32 s1, $0x0;
	_ =	strace $0x90000047  }
0x159: {  	s0 =	sadd.s32 @!p0 $0x100000, s0;
	[bflag:$0x2] =	sbarrier.arrive $0xFFFF  }
0x15a: {  	[sflag:s0] =	ssyncadd.tile.s32 @!p0 $0x1;
	_ =	shalt  }
.Lfunc_end2:
_tile_overlayer_lowered:
.L_overlay_start_2:
0x15b: {  	(tag) =	ssettag $0x2  }
0x15c: {  	s0 =	rddreg [dreg:$0x0];
	s2 =	stileid.u32  }
0x15d: {  	s1 =	rddreg [dreg:$0x1];
	p0 =	sne.s32 s2, $0x0  }
0x15e: {  	s3 =	rddreg [dreg:$0x2];
	[bflag:$0x3] =	sbarrier.arrive $0xFFFF;
	s2 =	simm.s32 @!p0 $0x1C01  }
0x15f: {  	[timem:s3], [sflag:s2] =	dma.local @!p0 [hbm:s0], s1  }
0x160: {  	s0 =	simm.s32 @!p0 $0x1  }
0x161: {  	_ =	swait.ge @!p0 [sflag:s0], s1  }
0x162: {  	s1 =	ssub.s32 @!p0 $0x0, s1;
	[sflag:s0] =	ssyncset.done @!p0 $0x0  }
0x163: {  	[sflag:s0] =	ssyncadd.s32 @!p0 s1  }
0x164: {  	[bflag:$0x3] =	sbarrier.arrive $0xFFFF  }
0x165: {  	_ =	shalt  }

</sc_bundles>
